<compile_context>
chip_gen: v7x
topology: tpu7x:2x2x1
jax: 0.10.2.dev20260603
libtpu: 0.0.44.dev20260713+nightly
codegen_flags: <defaults>
</compile_context>

<pallas_src>
import jax
import jax.numpy as jnp
from jax import lax
from jax.experimental import pallas as pl
from jax.experimental.pallas import tpu as pltpu
from jax.experimental.pallas import tpu_sc as plsc

VOCAB = 1000000
D = 64
MAXLEN = 200
VDIM = 128
B = 1024
T = 200

NC = 2
NS = 16
NW = NC * NS
PER_W = B * T // NW



N_STREAMS = 50
STREAM = 128
GROUP_STREAMS = 5
GROUP = GROUP_STREAMS * STREAM
N_GROUPS = PER_W // GROUP


def _sc_gather_body(table_hbm, idx_hbm, out_hbm, idx_v, rows_v, sem):
    wid = lax.axis_index("s") * NC + lax.axis_index("c")
    base = wid * PER_W
    pltpu.sync_copy(idx_hbm.at[wid], idx_v)

    @pl.loop(0, N_GROUPS)
    def _group(g):
        copies = []
        for j in range(GROUP_STREAMS):
            copies.append(pltpu.async_copy(
                table_hbm.at[idx_v.at[g * GROUP_STREAMS + j]],
                rows_v.at[pl.ds(j * STREAM, STREAM)],
                sem,
            ))
        for c in copies:
            c.wait()
        pltpu.sync_copy(rows_v, out_hbm.at[pl.ds(base + g * GROUP, GROUP)])


def _sc_gather(table, idx):
    mesh = plsc.VectorSubcoreMesh(core_axis_name="c", subcore_axis_name="s")
    return pl.kernel(
        _sc_gather_body,
        out_type=jax.ShapeDtypeStruct((B * T, 2 * D), jnp.float32),
        mesh=mesh,
        scratch_types=[
            pltpu.VMEM((N_STREAMS, STREAM), jnp.int32),
            pltpu.VMEM((GROUP, 2 * D), jnp.float32),
            pltpu.SemaphoreType.DMA,
        ],
        compiler_params=pltpu.CompilerParams(use_tc_tiling_on_sc=False),
    )(table, idx)


TBLK = 8


def _mm_body(vis_ref, w_ref, pos_ref, tmp_ref):
    for t in range(TBLK):
        v = vis_ref[:, t, :]
        p = lax.dot_general(
            w_ref[...], v, (((1,), (1,)), ((), ())),
            preferred_element_type=jnp.float32,
        )
        tmp_ref[t] = p + pos_ref[t][:, None]


def _tc_matmul(vis, w, pos):
    return pl.pallas_call(
        _mm_body,
        grid=(T // TBLK,),
        in_specs=[
            pl.BlockSpec((B, TBLK, VDIM), lambda i: (0, i, 0)),
            pl.BlockSpec((D, VDIM), lambda i: (0, 0)),
            pl.BlockSpec((TBLK, D), lambda i: (i, 0)),
        ],
        out_specs=pl.BlockSpec((TBLK, D, B), lambda i: (i, 0, 0)),
        out_shape=jax.ShapeDtypeStruct((T, D, B), jnp.float32),
    )(vis, w, pos)


def _fin_body(g_ref, tmp_ref, par_ref, gamma_ref, beta_ref, out_ref):
    g2 = g_ref[...]
    x = jnp.where(par_ref[...] > 0.5, g2[:, D:2 * D, :], g2[:, 0:D, :])
    x = x + tmp_ref[...]
    mean = jnp.mean(x, axis=1, keepdims=True)
    xc = x - mean
    var = jnp.mean(xc * xc, axis=1, keepdims=True)
    out_ref[...] = xc * lax.rsqrt(var + 1e-6) * gamma_ref[...] + beta_ref[...]


def _tc_final(g_t, tmp, par, gamma, beta):
    return pl.pallas_call(
        _fin_body,
        grid=(T // TBLK,),
        in_specs=[
            pl.BlockSpec((TBLK, 2 * D, B), lambda i: (i, 0, 0)),
            pl.BlockSpec((TBLK, D, B), lambda i: (i, 0, 0)),
            pl.BlockSpec((TBLK, 1, B), lambda i: (i, 0, 0)),
            pl.BlockSpec((1, D, 1), lambda i: (0, 0, 0)),
            pl.BlockSpec((1, D, 1), lambda i: (0, 0, 0)),
        ],
        out_specs=pl.BlockSpec((TBLK, D, B), lambda i: (i, 0, 0)),
        out_shape=jax.ShapeDtypeStruct((T, D, B), jnp.float32),
    )(g_t, tmp, par, gamma, beta)


def kernel(seq, visual_features, token_table, pos_table, W_visual, ln_gamma, ln_beta):
    seq_i = seq.astype(jnp.int32)
    idx2 = (seq_i >> 1).reshape(NW, N_STREAMS, STREAM)
    table2 = token_table.reshape(VOCAB // 2, 2 * D)
    gathered = _sc_gather(table2, idx2).reshape(B, T, 2 * D)
    tmp = _tc_matmul(visual_features, W_visual, pos_table)
    g_t = jnp.transpose(gathered, (1, 2, 0))
    par_t = jnp.transpose((seq_i & 1).astype(jnp.float32), (1, 0)).reshape(T, 1, B)
    out_t = _tc_final(
        g_t, tmp, par_t, ln_gamma.reshape(1, D, 1), ln_beta.reshape(1, D, 1)
    )
    return jnp.transpose(out_t, (2, 0, 1))

# --- scband reference (transcript-rebuilt; emitter-appended) ---
"""Pipeline reference for scband-bertembeddings-31653908971922 (READ-ONLY COPY).

The authoritative reference and input builder live on the scoring server;
editing this copy changes nothing except your own understanding.
"""

import jax, jax.numpy as jnp
import numpy as np

VOCAB = 1000000
D = 64
MAXLEN = 200
VDIM = 128
B = 1024
T = 200


def setup_inputs(seed: int = 0) -> dict:
    key = jax.random.key(seed)
    k1, k2, k3, k4, k5 = jax.random.split(key, 5)
    seq = jax.random.randint(k1, (B, T), 0, VOCAB)
    visual_features = jax.random.normal(k2, (B, T, VDIM), dtype=jnp.float32)
    token_table = jax.random.normal(k3, (VOCAB, D), dtype=jnp.float32) * 0.02
    token_table = token_table.at[0].set(0.0)  # padding_idx=0
    pos_table = jax.random.normal(k4, (MAXLEN, D), dtype=jnp.float32) * 0.02
    W_visual = jax.random.normal(k5, (D, VDIM), dtype=jnp.float32) * 0.05
    ln_gamma = jnp.ones((D,), dtype=jnp.float32)
    ln_beta = jnp.zeros((D,), dtype=jnp.float32)
    return {"seq": seq, "visual_features": visual_features, "token_table": token_table, "pos_table": pos_table, "W_visual": W_visual, "ln_gamma": ln_gamma, "ln_beta": ln_beta}


def reference(seq, visual_features, token_table, pos_table, W_visual, ln_gamma, ln_beta):
    batch_size, seq_length = seq.shape
    position_ids = jnp.arange(seq_length)
    token_embeddings = jnp.take(token_table, seq, axis=0)
    positional_embeddings = jnp.take(pos_table, position_ids, axis=0)[None, :, :]
    embeddings = token_embeddings + positional_embeddings
    visual_embeddings = visual_features @ W_visual.T
    embeddings = embeddings + visual_embeddings
    mean = jnp.mean(embeddings, axis=-1, keepdims=True)
    var = jnp.mean(jnp.square(embeddings - mean), axis=-1, keepdims=True)
    normed = (embeddings - mean) / jnp.sqrt(var + 1e-06)
    out = normed * ln_gamma + ln_beta
    return out

if __name__ == "__main__":
    import jax
    _d = setup_inputs()
    print(jax.jit(kernel)(*tuple(_d.values())))

</pallas_src>

<mosaic_0001>
#map = affine_map<(d0, d1) -> (0, 0)>
#map1 = affine_map<(d0, d1) -> (0, 0, 0)>
module attributes {stable_mosaic.version = 14 : i64} {
  func.func @_sc_gather_body(%arg0: i32, %arg1: i32, %arg2: memref<500000x128xf32, #tpu.memory_space<hbm>>, %arg3: memref<32x50x128xi32, #tpu.memory_space<hbm>>, %arg4: memref<204800x128xf32, #tpu.memory_space<hbm>>, %arg5: memref<50x128xi32, #tpu.memory_space<vmem>>, %arg6: memref<640x128xf32, #tpu.memory_space<vmem>>, %arg7: memref<!tpu.dma_semaphore, #tpu.memory_space<semaphore_mem>>) attributes {dimension_semantics = [#tpu.dimension_semantics<core_parallel>, #tpu.dimension_semantics<subcore_parallel>], iteration_bounds = array<i64: 2, 16>, scalar_prefetch = 0 : i64, scratch_operands = 3 : i64, tpu.core_type = #tpu.core_type<sc_vector_subcore>, window_params = [{transform_indices = #map}, {transform_indices = #map1}, {transform_indices = #map}]} {
    %mul3A = arith.constant 2 : i32
    %mul3A_0 = arith.muli %arg1, %mul3A : i32
    %add3A = arith.addi %mul3A_0, %arg0 : i32
    %mul3A_1 = arith.constant 6400 : i32
    %mul3A_2 = arith.muli %add3A, %mul3A_1 : i32
    "tpu.region"() ({
      %run_scoped3A = tpu.sem_alloc : memref<!tpu.dma_semaphore, #tpu.memory_space<semaphore_mem>>
      %dma_start3A = arith.constant 0 : i32
      %dma_start3A_7 = arith.constant 0 : i32
      %dma_start3A_8 = tpu.memref_slice %arg3[%add3A, %dma_start3A, %dma_start3A_7] : memref<32x50x128xi32, #tpu.memory_space<hbm>> -> memref<1x50x128xi32, #tpu.memory_space<hbm>>
      %dma_start3A_9 = tpu.memref_squeeze %dma_start3A_8 : memref<1x50x128xi32, #tpu.memory_space<hbm>> -> memref<50x128xi32, #tpu.memory_space<hbm>>
      %dma_start3A_10 = arith.constant 0 : i32
      %dma_start3A_11 = arith.constant 0 : i32
      %dma_start3A_12 = tpu.memref_slice %arg3[%add3A, %dma_start3A_10, %dma_start3A_11] : memref<32x50x128xi32, #tpu.memory_space<hbm>> -> memref<1x50x128xi32, #tpu.memory_space<hbm>>
      %dma_start3A_13 = tpu.memref_squeeze %dma_start3A_12 : memref<1x50x128xi32, #tpu.memory_space<hbm>> -> memref<50x128xi32, #tpu.memory_space<hbm>>
      tpu.enqueue_dma source(%dma_start3A_13 : memref<50x128xi32, #tpu.memory_space<hbm>>) target(%arg5 : memref<50x128xi32, #tpu.memory_space<vmem>>) target_semaphore(%run_scoped3A : memref<!tpu.dma_semaphore, #tpu.memory_space<semaphore_mem>>)
      %dma_wait3A = arith.constant 0 : i32
      %dma_wait3A_14 = arith.constant 0 : i32
      %dma_wait3A_15 = tpu.memref_slice %arg3[%add3A, %dma_wait3A, %dma_wait3A_14] : memref<32x50x128xi32, #tpu.memory_space<hbm>> -> memref<1x50x128xi32, #tpu.memory_space<hbm>>
      %dma_wait3A_16 = tpu.memref_squeeze %dma_wait3A_15 : memref<1x50x128xi32, #tpu.memory_space<hbm>> -> memref<50x128xi32, #tpu.memory_space<hbm>>
      %dma_wait3A_17 = arith.constant 0 : i32
      %dma_wait3A_18 = arith.constant 0 : i32
      %dma_wait3A_19 = tpu.memref_slice %arg3[%add3A, %dma_wait3A_17, %dma_wait3A_18] : memref<32x50x128xi32, #tpu.memory_space<hbm>> -> memref<1x50x128xi32, #tpu.memory_space<hbm>>
      %dma_wait3A_20 = tpu.memref_squeeze %dma_wait3A_19 : memref<1x50x128xi32, #tpu.memory_space<hbm>> -> memref<50x128xi32, #tpu.memory_space<hbm>>
      tpu.wait_dma2 semaphore(%run_scoped3A : memref<!tpu.dma_semaphore, #tpu.memory_space<semaphore_mem>>) src(%dma_wait3A_20 : memref<50x128xi32, #tpu.memory_space<hbm>>) dst(%arg5 : memref<50x128xi32, #tpu.memory_space<vmem>>)
      tpu.yield
    }) : () -> ()
    %scan3A = arith.constant 0 : i32
    %scan3A_3 = arith.constant 10 : i32
    %scan3A_4 = arith.addi %scan3A, %scan3A_3 : i32
    %scan3A_5 = arith.constant 1 : i32
    scf.for %scan3A_7 = %scan3A to %scan3A_4 step %scan3A_5  : i32 {
      %mul3A_8 = arith.constant 1 : i32
      %mul3A_9 = arith.muli %scan3A_7, %mul3A_8 : i32
      %add3A_10 = arith.constant 0 : i32
      %add3A_11 = arith.addi %add3A_10, %mul3A_9 : i32
      %mul3A_12 = arith.constant 5 : i32
      %mul3A_13 = arith.muli %add3A_11, %mul3A_12 : i32
      %add3A_14 = arith.constant 0 : i32
      %add3A_15 = arith.addi %mul3A_13, %add3A_14 : i32
      %dma_start3A = arith.constant 0 : i32
      %dma_start3A_16 = arith.constant 0 : i32
      %dma_start3A_17 = tpu.memref_slice %arg6[%dma_start3A, %dma_start3A_16] : memref<640x128xf32, #tpu.memory_space<vmem>> -> memref<128x128xf32, #tpu.memory_space<vmem>>
      %dma_start3A_18 = arith.constant 0 : i32
      %dma_start3A_19 = tpu.memref_slice %arg5[%add3A_15, %dma_start3A_18] : memref<50x128xi32, #tpu.memory_space<vmem>> -> memref<1x128xi32, #tpu.memory_space<vmem>>
      %dma_start3A_20 = tpu.memref_squeeze %dma_start3A_19 : memref<1x128xi32, #tpu.memory_space<vmem>> -> memref<128xi32, #tpu.memory_space<vmem>>
      %dma_start3A_21 = arith.constant 0 : i32
      %dma_start3A_22 = arith.constant 0 : i32
      %dma_start3A_23 = tpu.memref_slice %arg2[%dma_start3A_21, %dma_start3A_22] : memref<500000x128xf32, #tpu.memory_space<hbm>> -> memref<500000x128xf32, #tpu.memory_space<hbm>>
      tpu.enqueue_indirect_dma source(%dma_start3A_23 : memref<500000x128xf32, #tpu.memory_space<hbm>>) target(%dma_start3A_17 : memref<128x128xf32, #tpu.memory_space<vmem>>) offsets(%dma_start3A_20 : memref<128xi32, #tpu.memory_space<vmem>>) semaphore(%arg7 : memref<!tpu.dma_semaphore, #tpu.memory_space<semaphore_mem>>)
      %mul3A_24 = arith.constant 5 : i32
      %mul3A_25 = arith.muli %add3A_11, %mul3A_24 : i32
      %add3A_26 = arith.constant 1 : i32
      %add3A_27 = arith.addi %mul3A_25, %add3A_26 : i32
      %dma_start3A_28 = arith.constant 128 : i32
      %dma_start3A_29 = arith.constant 0 : i32
      %dma_start3A_30 = tpu.memref_slice %arg6[%dma_start3A_28, %dma_start3A_29] : memref<640x128xf32, #tpu.memory_space<vmem>> -> memref<128x128xf32, #tpu.memory_space<vmem>>
      %dma_start3A_31 = arith.constant 0 : i32
      %dma_start3A_32 = tpu.memref_slice %arg5[%add3A_27, %dma_start3A_31] : memref<50x128xi32, #tpu.memory_space<vmem>> -> memref<1x128xi32, #tpu.memory_space<vmem>>
      %dma_start3A_33 = tpu.memref_squeeze %dma_start3A_32 : memref<1x128xi32, #tpu.memory_space<vmem>> -> memref<128xi32, #tpu.memory_space<vmem>>
      %dma_start3A_34 = arith.constant 0 : i32
      %dma_start3A_35 = arith.constant 0 : i32
      %dma_start3A_36 = tpu.memref_slice %arg2[%dma_start3A_34, %dma_start3A_35] : memref<500000x128xf32, #tpu.memory_space<hbm>> -> memref<500000x128xf32, #tpu.memory_space<hbm>>
      tpu.enqueue_indirect_dma source(%dma_start3A_36 : memref<500000x128xf32, #tpu.memory_space<hbm>>) target(%dma_start3A_30 : memref<128x128xf32, #tpu.memory_space<vmem>>) offsets(%dma_start3A_33 : memref<128xi32, #tpu.memory_space<vmem>>) semaphore(%arg7 : memref<!tpu.dma_semaphore, #tpu.memory_space<semaphore_mem>>)
      %mul3A_37 = arith.constant 5 : i32
      %mul3A_38 = arith.muli %add3A_11, %mul3A_37 : i32
      %add3A_39 = arith.constant 2 : i32
      %add3A_40 = arith.addi %mul3A_38, %add3A_39 : i32
      %dma_start3A_41 = arith.constant 256 : i32
      %dma_start3A_42 = arith.constant 0 : i32
      %dma_start3A_43 = tpu.memref_slice %arg6[%dma_start3A_41, %dma_start3A_42] : memref<640x128xf32, #tpu.memory_space<vmem>> -> memref<128x128xf32, #tpu.memory_space<vmem>>
      %dma_start3A_44 = arith.constant 0 : i32
      %dma_start3A_45 = tpu.memref_slice %arg5[%add3A_40, %dma_start3A_44] : memref<50x128xi32, #tpu.memory_space<vmem>> -> memref<1x128xi32, #tpu.memory_space<vmem>>
      %dma_start3A_46 = tpu.memref_squeeze %dma_start3A_45 : memref<1x128xi32, #tpu.memory_space<vmem>> -> memref<128xi32, #tpu.memory_space<vmem>>
      %dma_start3A_47 = arith.constant 0 : i32
      %dma_start3A_48 = arith.constant 0 : i32
      %dma_start3A_49 = tpu.memref_slice %arg2[%dma_start3A_47, %dma_start3A_48] : memref<500000x128xf32, #tpu.memory_space<hbm>> -> memref<500000x128xf32, #tpu.memory_space<hbm>>
      tpu.enqueue_indirect_dma source(%dma_start3A_49 : memref<500000x128xf32, #tpu.memory_space<hbm>>) target(%dma_start3A_43 : memref<128x128xf32, #tpu.memory_space<vmem>>) offsets(%dma_start3A_46 : memref<128xi32, #tpu.memory_space<vmem>>) semaphore(%arg7 : memref<!tpu.dma_semaphore, #tpu.memory_space<semaphore_mem>>)
      %mul3A_50 = arith.constant 5 : i32
      %mul3A_51 = arith.muli %add3A_11, %mul3A_50 : i32
      %add3A_52 = arith.constant 3 : i32
      %add3A_53 = arith.addi %mul3A_51, %add3A_52 : i32
      %dma_start3A_54 = arith.constant 384 : i32
      %dma_start3A_55 = arith.constant 0 : i32
      %dma_start3A_56 = tpu.memref_slice %arg6[%dma_start3A_54, %dma_start3A_55] : memref<640x128xf32, #tpu.memory_space<vmem>> -> memref<128x128xf32, #tpu.memory_space<vmem>>
      %dma_start3A_57 = arith.constant 0 : i32
      %dma_start3A_58 = tpu.memref_slice %arg5[%add3A_53, %dma_start3A_57] : memref<50x128xi32, #tpu.memory_space<vmem>> -> memref<1x128xi32, #tpu.memory_space<vmem>>
      %dma_start3A_59 = tpu.memref_squeeze %dma_start3A_58 : memref<1x128xi32, #tpu.memory_space<vmem>> -> memref<128xi32, #tpu.memory_space<vmem>>
      %dma_start3A_60 = arith.constant 0 : i32
      %dma_start3A_61 = arith.constant 0 : i32
      %dma_start3A_62 = tpu.memref_slice %arg2[%dma_start3A_60, %dma_start3A_61] : memref<500000x128xf32, #tpu.memory_space<hbm>> -> memref<500000x128xf32, #tpu.memory_space<hbm>>
      tpu.enqueue_indirect_dma source(%dma_start3A_62 : memref<500000x128xf32, #tpu.memory_space<hbm>>) target(%dma_start3A_56 : memref<128x128xf32, #tpu.memory_space<vmem>>) offsets(%dma_start3A_59 : memref<128xi32, #tpu.memory_space<vmem>>) semaphore(%arg7 : memref<!tpu.dma_semaphore, #tpu.memory_space<semaphore_mem>>)
      %mul3A_63 = arith.constant 5 : i32
      %mul3A_64 = arith.muli %add3A_11, %mul3A_63 : i32
      %add3A_65 = arith.constant 4 : i32
      %add3A_66 = arith.addi %mul3A_64, %add3A_65 : i32
      %dma_start3A_67 = arith.constant 512 : i32
      %dma_start3A_68 = arith.constant 0 : i32
      %dma_start3A_69 = tpu.memref_slice %arg6[%dma_start3A_67, %dma_start3A_68] : memref<640x128xf32, #tpu.memory_space<vmem>> -> memref<128x128xf32, #tpu.memory_space<vmem>>
      %dma_start3A_70 = arith.constant 0 : i32
      %dma_start3A_71 = tpu.memref_slice %arg5[%add3A_66, %dma_start3A_70] : memref<50x128xi32, #tpu.memory_space<vmem>> -> memref<1x128xi32, #tpu.memory_space<vmem>>
      %dma_start3A_72 = tpu.memref_squeeze %dma_start3A_71 : memref<1x128xi32, #tpu.memory_space<vmem>> -> memref<128xi32, #tpu.memory_space<vmem>>
      %dma_start3A_73 = arith.constant 0 : i32
      %dma_start3A_74 = arith.constant 0 : i32
      %dma_start3A_75 = tpu.memref_slice %arg2[%dma_start3A_73, %dma_start3A_74] : memref<500000x128xf32, #tpu.memory_space<hbm>> -> memref<500000x128xf32, #tpu.memory_space<hbm>>
      tpu.enqueue_indirect_dma source(%dma_start3A_75 : memref<500000x128xf32, #tpu.memory_space<hbm>>) target(%dma_start3A_69 : memref<128x128xf32, #tpu.memory_space<vmem>>) offsets(%dma_start3A_72 : memref<128xi32, #tpu.memory_space<vmem>>) semaphore(%arg7 : memref<!tpu.dma_semaphore, #tpu.memory_space<semaphore_mem>>)
      %dma_wait3A = arith.constant 0 : i32
      %dma_wait3A_76 = arith.constant 0 : i32
      %dma_wait3A_77 = tpu.memref_slice %arg6[%dma_wait3A, %dma_wait3A_76] : memref<640x128xf32, #tpu.memory_space<vmem>> -> memref<128x128xf32, #tpu.memory_space<vmem>>
      %dma_wait3A_78 = arith.constant 0 : i32
      %dma_wait3A_79 = tpu.memref_slice %arg5[%add3A_15, %dma_wait3A_78] : memref<50x128xi32, #tpu.memory_space<vmem>> -> memref<1x128xi32, #tpu.memory_space<vmem>>
      %dma_wait3A_80 = tpu.memref_squeeze %dma_wait3A_79 : memref<1x128xi32, #tpu.memory_space<vmem>> -> memref<128xi32, #tpu.memory_space<vmem>>
      %dma_wait3A_81 = arith.constant 0 : i32
      %dma_wait3A_82 = arith.constant 0 : i32
      %dma_wait3A_83 = tpu.memref_slice %arg2[%dma_wait3A_81, %dma_wait3A_82] : memref<500000x128xf32, #tpu.memory_space<hbm>> -> memref<500000x128xf32, #tpu.memory_space<hbm>>
      tpu.wait_indirect_dma semaphore(%arg7 : memref<!tpu.dma_semaphore, #tpu.memory_space<semaphore_mem>>) src(%dma_wait3A_83 : memref<500000x128xf32, #tpu.memory_space<hbm>>) dst(%dma_wait3A_77 : memref<128x128xf32, #tpu.memory_space<vmem>>)
      %dma_wait3A_84 = arith.constant 128 : i32
      %dma_wait3A_85 = arith.constant 0 : i32
      %dma_wait3A_86 = tpu.memref_slice %arg6[%dma_wait3A_84, %dma_wait3A_85] : memref<640x128xf32, #tpu.memory_space<vmem>> -> memref<128x128xf32, #tpu.memory_space<vmem>>
      %dma_wait3A_87 = arith.constant 0 : i32
      %dma_wait3A_88 = tpu.memref_slice %arg5[%add3A_27, %dma_wait3A_87] : memref<50x128xi32, #tpu.memory_space<vmem>> -> memref<1x128xi32, #tpu.memory_space<vmem>>
      %dma_wait3A_89 = tpu.memref_squeeze %dma_wait3A_88 : memref<1x128xi32, #tpu.memory_space<vmem>> -> memref<128xi32, #tpu.memory_space<vmem>>
      %dma_wait3A_90 = arith.constant 0 : i32
      %dma_wait3A_91 = arith.constant 0 : i32
      %dma_wait3A_92 = tpu.memref_slice %arg2[%dma_wait3A_90, %dma_wait3A_91] : memref<500000x128xf32, #tpu.memory_space<hbm>> -> memref<500000x128xf32, #tpu.memory_space<hbm>>
      tpu.wait_indirect_dma semaphore(%arg7 : memref<!tpu.dma_semaphore, #tpu.memory_space<semaphore_mem>>) src(%dma_wait3A_92 : memref<500000x128xf32, #tpu.memory_space<hbm>>) dst(%dma_wait3A_86 : memref<128x128xf32, #tpu.memory_space<vmem>>)
      %dma_wait3A_93 = arith.constant 256 : i32
      %dma_wait3A_94 = arith.constant 0 : i32
      %dma_wait3A_95 = tpu.memref_slice %arg6[%dma_wait3A_93, %dma_wait3A_94] : memref<640x128xf32, #tpu.memory_space<vmem>> -> memref<128x128xf32, #tpu.memory_space<vmem>>
      %dma_wait3A_96 = arith.constant 0 : i32
      %dma_wait3A_97 = tpu.memref_slice %arg5[%add3A_40, %dma_wait3A_96] : memref<50x128xi32, #tpu.memory_space<vmem>> -> memref<1x128xi32, #tpu.memory_space<vmem>>
      %dma_wait3A_98 = tpu.memref_squeeze %dma_wait3A_97 : memref<1x128xi32, #tpu.memory_space<vmem>> -> memref<128xi32, #tpu.memory_space<vmem>>
      %dma_wait3A_99 = arith.constant 0 : i32
      %dma_wait3A_100 = arith.constant 0 : i32
      %dma_wait3A_101 = tpu.memref_slice %arg2[%dma_wait3A_99, %dma_wait3A_100] : memref<500000x128xf32, #tpu.memory_space<hbm>> -> memref<500000x128xf32, #tpu.memory_space<hbm>>
      tpu.wait_indirect_dma semaphore(%arg7 : memref<!tpu.dma_semaphore, #tpu.memory_space<semaphore_mem>>) src(%dma_wait3A_101 : memref<500000x128xf32, #tpu.memory_space<hbm>>) dst(%dma_wait3A_95 : memref<128x128xf32, #tpu.memory_space<vmem>>)
      %dma_wait3A_102 = arith.constant 384 : i32
      %dma_wait3A_103 = arith.constant 0 : i32
      %dma_wait3A_104 = tpu.memref_slice %arg6[%dma_wait3A_102, %dma_wait3A_103] : memref<640x128xf32, #tpu.memory_space<vmem>> -> memref<128x128xf32, #tpu.memory_space<vmem>>
      %dma_wait3A_105 = arith.constant 0 : i32
      %dma_wait3A_106 = tpu.memref_slice %arg5[%add3A_53, %dma_wait3A_105] : memref<50x128xi32, #tpu.memory_space<vmem>> -> memref<1x128xi32, #tpu.memory_space<vmem>>
      %dma_wait3A_107 = tpu.memref_squeeze %dma_wait3A_106 : memref<1x128xi32, #tpu.memory_space<vmem>> -> memref<128xi32, #tpu.memory_space<vmem>>
      %dma_wait3A_108 = arith.constant 0 : i32
      %dma_wait3A_109 = arith.constant 0 : i32
      %dma_wait3A_110 = tpu.memref_slice %arg2[%dma_wait3A_108, %dma_wait3A_109] : memref<500000x128xf32, #tpu.memory_space<hbm>> -> memref<500000x128xf32, #tpu.memory_space<hbm>>
      tpu.wait_indirect_dma semaphore(%arg7 : memref<!tpu.dma_semaphore, #tpu.memory_space<semaphore_mem>>) src(%dma_wait3A_110 : memref<500000x128xf32, #tpu.memory_space<hbm>>) dst(%dma_wait3A_104 : memref<128x128xf32, #tpu.memory_space<vmem>>)
      %dma_wait3A_111 = arith.constant 512 : i32
      %dma_wait3A_112 = arith.constant 0 : i32
      %dma_wait3A_113 = tpu.memref_slice %arg6[%dma_wait3A_111, %dma_wait3A_112] : memref<640x128xf32, #tpu.memory_space<vmem>> -> memref<128x128xf32, #tpu.memory_space<vmem>>
      %dma_wait3A_114 = arith.constant 0 : i32
      %dma_wait3A_115 = tpu.memref_slice %arg5[%add3A_66, %dma_wait3A_114] : memref<50x128xi32, #tpu.memory_space<vmem>> -> memref<1x128xi32, #tpu.memory_space<vmem>>
      %dma_wait3A_116 = tpu.memref_squeeze %dma_wait3A_115 : memref<1x128xi32, #tpu.memory_space<vmem>> -> memref<128xi32, #tpu.memory_space<vmem>>
      %dma_wait3A_117 = arith.constant 0 : i32
      %dma_wait3A_118 = arith.constant 0 : i32
      %dma_wait3A_119 = tpu.memref_slice %arg2[%dma_wait3A_117, %dma_wait3A_118] : memref<500000x128xf32, #tpu.memory_space<hbm>> -> memref<500000x128xf32, #tpu.memory_space<hbm>>
      tpu.wait_indirect_dma semaphore(%arg7 : memref<!tpu.dma_semaphore, #tpu.memory_space<semaphore_mem>>) src(%dma_wait3A_119 : memref<500000x128xf32, #tpu.memory_space<hbm>>) dst(%dma_wait3A_113 : memref<128x128xf32, #tpu.memory_space<vmem>>)
      %mul3A_120 = arith.constant 640 : i32
      %mul3A_121 = arith.muli %add3A_11, %mul3A_120 : i32
      %add3A_122 = arith.addi %mul3A_2, %mul3A_121 : i32
      "tpu.region"() ({
        %run_scoped3A = tpu.sem_alloc : memref<!tpu.dma_semaphore, #tpu.memory_space<semaphore_mem>>
        %dma_start3A_123 = arith.constant 0 : i32
        %dma_start3A_124 = tpu.memref_slice %arg4[%add3A_122, %dma_start3A_123] : memref<204800x128xf32, #tpu.memory_space<hbm>> -> memref<640x128xf32, #tpu.memory_space<hbm>>
        %dma_start3A_125 = arith.constant 0 : i32
        %dma_start3A_126 = tpu.memref_slice %arg4[%add3A_122, %dma_start3A_125] : memref<204800x128xf32, #tpu.memory_space<hbm>> -> memref<640x128xf32, #tpu.memory_space<hbm>>
        tpu.enqueue_dma source(%arg6 : memref<640x128xf32, #tpu.memory_space<vmem>>) target(%dma_start3A_126 : memref<640x128xf32, #tpu.memory_space<hbm>>) target_semaphore(%run_scoped3A : memref<!tpu.dma_semaphore, #tpu.memory_space<semaphore_mem>>)
        %dma_wait3A_127 = arith.constant 0 : i32
        %dma_wait3A_128 = tpu.memref_slice %arg4[%add3A_122, %dma_wait3A_127] : memref<204800x128xf32, #tpu.memory_space<hbm>> -> memref<640x128xf32, #tpu.memory_space<hbm>>
        %dma_wait3A_129 = arith.constant 0 : i32
        %dma_wait3A_130 = tpu.memref_slice %arg4[%add3A_122, %dma_wait3A_129] : memref<204800x128xf32, #tpu.memory_space<hbm>> -> memref<640x128xf32, #tpu.memory_space<hbm>>
        tpu.wait_dma2 semaphore(%run_scoped3A : memref<!tpu.dma_semaphore, #tpu.memory_space<semaphore_mem>>) src(%arg6 : memref<640x128xf32, #tpu.memory_space<vmem>>) dst(%dma_wait3A_130 : memref<640x128xf32, #tpu.memory_space<hbm>>)
        tpu.yield
      }) : () -> ()
    }
    %scan3A_6 = arith.constant 10 : i32
    return
  }
}

module attributes {stable_mosaic.version = 14 : i64} {
  func.func @_mm_body(%arg0: i32, %arg1: memref<1024x8x128xf32, #tpu.memory_space<vmem>>, %arg2: memref<64x128xf32, #tpu.memory_space<vmem>>, %arg3: memref<8x64xf32, #tpu.memory_space<vmem>>, %arg4: memref<8x64x1024xf32, #tpu.memory_space<vmem>>) attributes {dimension_semantics = [#tpu.dimension_semantics<arbitrary>], iteration_bounds = array<i64: 25>, scalar_prefetch = 0 : i64, scratch_operands = 0 : i64, tpu.core_type = #tpu.core_type<tc>, window_params = [{transform_indices = @transform_0, window_bounds = array<i64: 1024, 8, 128>}, {pipeline_mode = #tpu.pipeline_mode<synchronous>, transform_indices = @transform_1, window_bounds = array<i64: 64, 128>}, {transform_indices = @transform_2, window_bounds = array<i64: 8, 64>}, {transform_indices = @transform_3, window_bounds = array<i64: 8, 64, 1024>}]} {
    %get3A = arith.constant 0 : index
    %get3A_0 = arith.constant 0 : index
    %get3A_1 = arith.constant 0 : index
    %get3A_2 = vector.load %arg1[%get3A, %get3A_0, %get3A_1] : memref<1024x8x128xf32, #tpu.memory_space<vmem>>, vector<1024x1x128xf32>
    %get3A_3 = vector.shape_cast %get3A_2 : vector<1024x1x128xf32> to vector<1024x128xf32>
    %get3A_4 = arith.constant 0 : index
    %get3A_5 = arith.constant 0 : index
    %get3A_6 = vector.load %arg2[%get3A_4, %get3A_5] : memref<64x128xf32, #tpu.memory_space<vmem>>, vector<64x128xf32>
    %dot_general3A = arith.constant dense<0.000000e+00> : vector<64x1024xf32>
    %dot_general3A_7 = tpu.matmul %get3A_6, %get3A_3, %dot_general3A {dimension_numbers = #tpu.dot_dimension_numbers<[1], [1], [0], [0], [0, 0, 1, 0], [], []>, transpose_lhs_hint = false} : vector<64x128xf32>, vector<1024x128xf32>, vector<64x1024xf32> -> vector<64x1024xf32>
    %get3A_8 = arith.constant 0 : index
    %get3A_9 = arith.constant 0 : index
    %get3A_10 = vector.load %arg3[%get3A_8, %get3A_9] : memref<8x64xf32, #tpu.memory_space<vmem>>, vector<1x64xf32>
    %get3A_11 = vector.shape_cast %get3A_10 : vector<1x64xf32> to vector<64xf32>
    %broadcast_in_dim3A = vector.shape_cast %get3A_11 : vector<64xf32> to vector<64x1xf32>
    %add3A = vector.broadcast %broadcast_in_dim3A : vector<64x1xf32> to vector<64x1024xf32>
    %add3A_12 = arith.addf %dot_general3A_7, %add3A : vector<64x1024xf32>
    %swap3A = arith.constant 0 : index
    %swap3A_13 = arith.constant 0 : index
    %swap3A_14 = arith.constant 0 : index
    %swap3A_15 = vector.load %arg4[%swap3A, %swap3A_13, %swap3A_14] : memref<8x64x1024xf32, #tpu.memory_space<vmem>>, vector<1x64x1024xf32>
    %swap3A_16 = vector.shape_cast %swap3A_15 : vector<1x64x1024xf32> to vector<64x1024xf32>
    %swap3A_17 = vector.shape_cast %add3A_12 : vector<64x1024xf32> to vector<1x64x1024xf32>
    tpu.vector_store %arg4[%swap3A, %swap3A_13, %swap3A_14], %swap3A_17 {strides = array<i32>} : memref<8x64x1024xf32, #tpu.memory_space<vmem>>, vector<1x64x1024xf32>,
    %get3A_18 = arith.constant 0 : index
    %get3A_19 = arith.constant 1 : index
    %get3A_20 = arith.constant 0 : index
    %get3A_21 = vector.load %arg1[%get3A_18, %get3A_19, %get3A_20] : memref<1024x8x128xf32, #tpu.memory_space<vmem>>, vector<1024x1x128xf32>
    %get3A_22 = vector.shape_cast %get3A_21 : vector<1024x1x128xf32> to vector<1024x128xf32>
    %get3A_23 = arith.constant 0 : index
    %get3A_24 = arith.constant 0 : index
    %get3A_25 = vector.load %arg2[%get3A_23, %get3A_24] : memref<64x128xf32, #tpu.memory_space<vmem>>, vector<64x128xf32>
    %dot_general3A_26 = arith.constant dense<0.000000e+00> : vector<64x1024xf32>
    %dot_general3A_27 = tpu.matmul %get3A_25, %get3A_22, %dot_general3A_26 {dimension_numbers = #tpu.dot_dimension_numbers<[1], [1], [0], [0], [0, 0, 1, 0], [], []>, transpose_lhs_hint = false} : vector<64x128xf32>, vector<1024x128xf32>, vector<64x1024xf32> -> vector<64x1024xf32>
    %get3A_28 = arith.constant 1 : index
    %get3A_29 = arith.constant 0 : index
    %get3A_30 = vector.load %arg3[%get3A_28, %get3A_29] : memref<8x64xf32, #tpu.memory_space<vmem>>, vector<1x64xf32>
    %get3A_31 = vector.shape_cast %get3A_30 : vector<1x64xf32> to vector<64xf32>
    %broadcast_in_dim3A_32 = vector.shape_cast %get3A_31 : vector<64xf32> to vector<64x1xf32>
    %add3A_33 = vector.broadcast %broadcast_in_dim3A_32 : vector<64x1xf32> to vector<64x1024xf32>
    %add3A_34 = arith.addf %dot_general3A_27, %add3A_33 : vector<64x1024xf32>
    %swap3A_35 = arith.constant 1 : index
    %swap3A_36 = arith.constant 0 : index
    %swap3A_37 = arith.constant 0 : index
    %swap3A_38 = vector.load %arg4[%swap3A_35, %swap3A_36, %swap3A_37] : memref<8x64x1024xf32, #tpu.memory_space<vmem>>, vector<1x64x1024xf32>
    %swap3A_39 = vector.shape_cast %swap3A_38 : vector<1x64x1024xf32> to vector<64x1024xf32>
    %swap3A_40 = vector.shape_cast %add3A_34 : vector<64x1024xf32> to vector<1x64x1024xf32>
    tpu.vector_store %arg4[%swap3A_35, %swap3A_36, %swap3A_37], %swap3A_40 {strides = array<i32>} : memref<8x64x1024xf32, #tpu.memory_space<vmem>>, vector<1x64x1024xf32>,
    %get3A_41 = arith.constant 0 : index
    %get3A_42 = arith.constant 2 : index
    %get3A_43 = arith.constant 0 : index
    %get3A_44 = vector.load %arg1[%get3A_41, %get3A_42, %get3A_43] : memref<1024x8x128xf32, #tpu.memory_space<vmem>>, vector<1024x1x128xf32>
    %get3A_45 = vector.shape_cast %get3A_44 : vector<1024x1x128xf32> to vector<1024x128xf32>
    %get3A_46 = arith.constant 0 : index
    %get3A_47 = arith.constant 0 : index
    %get3A_48 = vector.load %arg2[%get3A_46, %get3A_47] : memref<64x128xf32, #tpu.memory_space<vmem>>, vector<64x128xf32>
    %dot_general3A_49 = arith.constant dense<0.000000e+00> : vector<64x1024xf32>
    %dot_general3A_50 = tpu.matmul %get3A_48, %get3A_45, %dot_general3A_49 {dimension_numbers = #tpu.dot_dimension_numbers<[1], [1], [0], [0], [0, 0, 1, 0], [], []>, transpose_lhs_hint = false} : vector<64x128xf32>, vector<1024x128xf32>, vector<64x1024xf32> -> vector<64x1024xf32>
    %get3A_51 = arith.constant 2 : index
    %get3A_52 = arith.constant 0 : index
    %get3A_53 = vector.load %arg3[%get3A_51, %get3A_52] : memref<8x64xf32, #tpu.memory_space<vmem>>, vector<1x64xf32>
    %get3A_54 = vector.shape_cast %get3A_53 : vector<1x64xf32> to vector<64xf32>
    %broadcast_in_dim3A_55 = vector.shape_cast %get3A_54 : vector<64xf32> to vector<64x1xf32>
    %add3A_56 = vector.broadcast %broadcast_in_dim3A_55 : vector<64x1xf32> to vector<64x1024xf32>
    %add3A_57 = arith.addf %dot_general3A_50, %add3A_56 : vector<64x1024xf32>
    %swap3A_58 = arith.constant 2 : index
    %swap3A_59 = arith.constant 0 : index
    %swap3A_60 = arith.constant 0 : index
    %swap3A_61 = vector.load %arg4[%swap3A_58, %swap3A_59, %swap3A_60] : memref<8x64x1024xf32, #tpu.memory_space<vmem>>, vector<1x64x1024xf32>
    %swap3A_62 = vector.shape_cast %swap3A_61 : vector<1x64x1024xf32> to vector<64x1024xf32>
    %swap3A_63 = vector.shape_cast %add3A_57 : vector<64x1024xf32> to vector<1x64x1024xf32>
    tpu.vector_store %arg4[%swap3A_58, %swap3A_59, %swap3A_60], %swap3A_63 {strides = array<i32>} : memref<8x64x1024xf32, #tpu.memory_space<vmem>>, vector<1x64x1024xf32>,
    %get3A_64 = arith.constant 0 : index
    %get3A_65 = arith.constant 3 : index
    %get3A_66 = arith.constant 0 : index
    %get3A_67 = vector.load %arg1[%get3A_64, %get3A_65, %get3A_66] : memref<1024x8x128xf32, #tpu.memory_space<vmem>>, vector<1024x1x128xf32>
    %get3A_68 = vector.shape_cast %get3A_67 : vector<1024x1x128xf32> to vector<1024x128xf32>
    %get3A_69 = arith.constant 0 : index
    %get3A_70 = arith.constant 0 : index
    %get3A_71 = vector.load %arg2[%get3A_69, %get3A_70] : memref<64x128xf32, #tpu.memory_space<vmem>>, vector<64x128xf32>
    %dot_general3A_72 = arith.constant dense<0.000000e+00> : vector<64x1024xf32>
    %dot_general3A_73 = tpu.matmul %get3A_71, %get3A_68, %dot_general3A_72 {dimension_numbers = #tpu.dot_dimension_numbers<[1], [1], [0], [0], [0, 0, 1, 0], [], []>, transpose_lhs_hint = false} : vector<64x128xf32>, vector<1024x128xf32>, vector<64x1024xf32> -> vector<64x1024xf32>
    %get3A_74 = arith.constant 3 : index
    %get3A_75 = arith.constant 0 : index
    %get3A_76 = vector.load %arg3[%get3A_74, %get3A_75] : memref<8x64xf32, #tpu.memory_space<vmem>>, vector<1x64xf32>
    %get3A_77 = vector.shape_cast %get3A_76 : vector<1x64xf32> to vector<64xf32>
    %broadcast_in_dim3A_78 = vector.shape_cast %get3A_77 : vector<64xf32> to vector<64x1xf32>
    %add3A_79 = vector.broadcast %broadcast_in_dim3A_78 : vector<64x1xf32> to vector<64x1024xf32>
    %add3A_80 = arith.addf %dot_general3A_73, %add3A_79 : vector<64x1024xf32>
    %swap3A_81 = arith.constant 3 : index
    %swap3A_82 = arith.constant 0 : index
    %swap3A_83 = arith.constant 0 : index
    %swap3A_84 = vector.load %arg4[%swap3A_81, %swap3A_82, %swap3A_83] : memref<8x64x1024xf32, #tpu.memory_space<vmem>>, vector<1x64x1024xf32>
    %swap3A_85 = vector.shape_cast %swap3A_84 : vector<1x64x1024xf32> to vector<64x1024xf32>
    %swap3A_86 = vector.shape_cast %add3A_80 : vector<64x1024xf32> to vector<1x64x1024xf32>
    tpu.vector_store %arg4[%swap3A_81, %swap3A_82, %swap3A_83], %swap3A_86 {strides = array<i32>} : memref<8x64x1024xf32, #tpu.memory_space<vmem>>, vector<1x64x1024xf32>,
    %get3A_87 = arith.constant 0 : index
    %get3A_88 = arith.constant 4 : index
    %get3A_89 = arith.constant 0 : index
    %get3A_90 = vector.load %arg1[%get3A_87, %get3A_88, %get3A_89] : memref<1024x8x128xf32, #tpu.memory_space<vmem>>, vector<1024x1x128xf32>
    %get3A_91 = vector.shape_cast %get3A_90 : vector<1024x1x128xf32> to vector<1024x128xf32>
    %get3A_92 = arith.constant 0 : index
    %get3A_93 = arith.constant 0 : index
    %get3A_94 = vector.load %arg2[%get3A_92, %get3A_93] : memref<64x128xf32, #tpu.memory_space<vmem>>, vector<64x128xf32>
    %dot_general3A_95 = arith.constant dense<0.000000e+00> : vector<64x1024xf32>
    %dot_general3A_96 = tpu.matmul %get3A_94, %get3A_91, %dot_general3A_95 {dimension_numbers = #tpu.dot_dimension_numbers<[1], [1], [0], [0], [0, 0, 1, 0], [], []>, transpose_lhs_hint = false} : vector<64x128xf32>, vector<1024x128xf32>, vector<64x1024xf32> -> vector<64x1024xf32>
    %get3A_97 = arith.constant 4 : index
    %get3A_98 = arith.constant 0 : index
    %get3A_99 = vector.load %arg3[%get3A_97, %get3A_98] : memref<8x64xf32, #tpu.memory_space<vmem>>, vector<1x64xf32>
    %get3A_100 = vector.shape_cast %get3A_99 : vector<1x64xf32> to vector<64xf32>
    %broadcast_in_dim3A_101 = vector.shape_cast %get3A_100 : vector<64xf32> to vector<64x1xf32>
    %add3A_102 = vector.broadcast %broadcast_in_dim3A_101 : vector<64x1xf32> to vector<64x1024xf32>
    %add3A_103 = arith.addf %dot_general3A_96, %add3A_102 : vector<64x1024xf32>
    %swap3A_104 = arith.constant 4 : index
    %swap3A_105 = arith.constant 0 : index
    %swap3A_106 = arith.constant 0 : index
    %swap3A_107 = vector.load %arg4[%swap3A_104, %swap3A_105, %swap3A_106] : memref<8x64x1024xf32, #tpu.memory_space<vmem>>, vector<1x64x1024xf32>
    %swap3A_108 = vector.shape_cast %swap3A_107 : vector<1x64x1024xf32> to vector<64x1024xf32>
    %swap3A_109 = vector.shape_cast %add3A_103 : vector<64x1024xf32> to vector<1x64x1024xf32>
    tpu.vector_store %arg4[%swap3A_104, %swap3A_105, %swap3A_106], %swap3A_109 {strides = array<i32>} : memref<8x64x1024xf32, #tpu.memory_space<vmem>>, vector<1x64x1024xf32>,
    %get3A_110 = arith.constant 0 : index
    %get3A_111 = arith.constant 5 : index
    %get3A_112 = arith.constant 0 : index
    %get3A_113 = vector.load %arg1[%get3A_110, %get3A_111, %get3A_112] : memref<1024x8x128xf32, #tpu.memory_space<vmem>>, vector<1024x1x128xf32>
    %get3A_114 = vector.shape_cast %get3A_113 : vector<1024x1x128xf32> to vector<1024x128xf32>
    %get3A_115 = arith.constant 0 : index
    %get3A_116 = arith.constant 0 : index
    %get3A_117 = vector.load %arg2[%get3A_115, %get3A_116] : memref<64x128xf32, #tpu.memory_space<vmem>>, vector<64x128xf32>
    %dot_general3A_118 = arith.constant dense<0.000000e+00> : vector<64x1024xf32>
    %dot_general3A_119 = tpu.matmul %get3A_117, %get3A_114, %dot_general3A_118 {dimension_numbers = #tpu.dot_dimension_numbers<[1], [1], [0], [0], [0, 0, 1, 0], [], []>, transpose_lhs_hint = false} : vector<64x128xf32>, vector<1024x128xf32>, vector<64x1024xf32> -> vector<64x1024xf32>
    %get3A_120 = arith.constant 5 : index
    %get3A_121 = arith.constant 0 : index
    %get3A_122 = vector.load %arg3[%get3A_120, %get3A_121] : memref<8x64xf32, #tpu.memory_space<vmem>>, vector<1x64xf32>
    %get3A_123 = vector.shape_cast %get3A_122 : vector<1x64xf32> to vector<64xf32>
    %broadcast_in_dim3A_124 = vector.shape_cast %get3A_123 : vector<64xf32> to vector<64x1xf32>
    %add3A_125 = vector.broadcast %broadcast_in_dim3A_124 : vector<64x1xf32> to vector<64x1024xf32>
    %add3A_126 = arith.addf %dot_general3A_119, %add3A_125 : vector<64x1024xf32>
    %swap3A_127 = arith.constant 5 : index
    %swap3A_128 = arith.constant 0 : index
    %swap3A_129 = arith.constant 0 : index
    %swap3A_130 = vector.load %arg4[%swap3A_127, %swap3A_128, %swap3A_129] : memref<8x64x1024xf32, #tpu.memory_space<vmem>>, vector<1x64x1024xf32>
    %swap3A_131 = vector.shape_cast %swap3A_130 : vector<1x64x1024xf32> to vector<64x1024xf32>
    %swap3A_132 = vector.shape_cast %add3A_126 : vector<64x1024xf32> to vector<1x64x1024xf32>
    tpu.vector_store %arg4[%swap3A_127, %swap3A_128, %swap3A_129], %swap3A_132 {strides = array<i32>} : memref<8x64x1024xf32, #tpu.memory_space<vmem>>, vector<1x64x1024xf32>,
    %get3A_133 = arith.constant 0 : index
    %get3A_134 = arith.constant 6 : index
    %get3A_135 = arith.constant 0 : index
    %get3A_136 = vector.load %arg1[%get3A_133, %get3A_134, %get3A_135] : memref<1024x8x128xf32, #tpu.memory_space<vmem>>, vector<1024x1x128xf32>
    %get3A_137 = vector.shape_cast %get3A_136 : vector<1024x1x128xf32> to vector<1024x128xf32>
    %get3A_138 = arith.constant 0 : index
    %get3A_139 = arith.constant 0 : index
    %get3A_140 = vector.load %arg2[%get3A_138, %get3A_139] : memref<64x128xf32, #tpu.memory_space<vmem>>, vector<64x128xf32>
    %dot_general3A_141 = arith.constant dense<0.000000e+00> : vector<64x1024xf32>
    %dot_general3A_142 = tpu.matmul %get3A_140, %get3A_137, %dot_general3A_141 {dimension_numbers = #tpu.dot_dimension_numbers<[1], [1], [0], [0], [0, 0, 1, 0], [], []>, transpose_lhs_hint = false} : vector<64x128xf32>, vector<1024x128xf32>, vector<64x1024xf32> -> vector<64x1024xf32>
    %get3A_143 = arith.constant 6 : index
    %get3A_144 = arith.constant 0 : index
    %get3A_145 = vector.load %arg3[%get3A_143, %get3A_144] : memref<8x64xf32, #tpu.memory_space<vmem>>, vector<1x64xf32>
    %get3A_146 = vector.shape_cast %get3A_145 : vector<1x64xf32> to vector<64xf32>
    %broadcast_in_dim3A_147 = vector.shape_cast %get3A_146 : vector<64xf32> to vector<64x1xf32>
    %add3A_148 = vector.broadcast %broadcast_in_dim3A_147 : vector<64x1xf32> to vector<64x1024xf32>
    %add3A_149 = arith.addf %dot_general3A_142, %add3A_148 : vector<64x1024xf32>
    %swap3A_150 = arith.constant 6 : index
    %swap3A_151 = arith.constant 0 : index
    %swap3A_152 = arith.constant 0 : index
    %swap3A_153 = vector.load %arg4[%swap3A_150, %swap3A_151, %swap3A_152] : memref<8x64x1024xf32, #tpu.memory_space<vmem>>, vector<1x64x1024xf32>
    %swap3A_154 = vector.shape_cast %swap3A_153 : vector<1x64x1024xf32> to vector<64x1024xf32>
    %swap3A_155 = vector.shape_cast %add3A_149 : vector<64x1024xf32> to vector<1x64x1024xf32>
    tpu.vector_store %arg4[%swap3A_150, %swap3A_151, %swap3A_152], %swap3A_155 {strides = array<i32>} : memref<8x64x1024xf32, #tpu.memory_space<vmem>>, vector<1x64x1024xf32>,
    %get3A_156 = arith.constant 0 : index
    %get3A_157 = arith.constant 7 : index
    %get3A_158 = arith.constant 0 : index
    %get3A_159 = vector.load %arg1[%get3A_156, %get3A_157, %get3A_158] : memref<1024x8x128xf32, #tpu.memory_space<vmem>>, vector<1024x1x128xf32>
    %get3A_160 = vector.shape_cast %get3A_159 : vector<1024x1x128xf32> to vector<1024x128xf32>
    %get3A_161 = arith.constant 0 : index
    %get3A_162 = arith.constant 0 : index
    %get3A_163 = vector.load %arg2[%get3A_161, %get3A_162] : memref<64x128xf32, #tpu.memory_space<vmem>>, vector<64x128xf32>
    %dot_general3A_164 = arith.constant dense<0.000000e+00> : vector<64x1024xf32>
    %dot_general3A_165 = tpu.matmul %get3A_163, %get3A_160, %dot_general3A_164 {dimension_numbers = #tpu.dot_dimension_numbers<[1], [1], [0], [0], [0, 0, 1, 0], [], []>, transpose_lhs_hint = false} : vector<64x128xf32>, vector<1024x128xf32>, vector<64x1024xf32> -> vector<64x1024xf32>
    %get3A_166 = arith.constant 7 : index
    %get3A_167 = arith.constant 0 : index
    %get3A_168 = vector.load %arg3[%get3A_166, %get3A_167] : memref<8x64xf32, #tpu.memory_space<vmem>>, vector<1x64xf32>
    %get3A_169 = vector.shape_cast %get3A_168 : vector<1x64xf32> to vector<64xf32>
    %broadcast_in_dim3A_170 = vector.shape_cast %get3A_169 : vector<64xf32> to vector<64x1xf32>
    %add3A_171 = vector.broadcast %broadcast_in_dim3A_170 : vector<64x1xf32> to vector<64x1024xf32>
    %add3A_172 = arith.addf %dot_general3A_165, %add3A_171 : vector<64x1024xf32>
    %swap3A_173 = arith.constant 7 : index
    %swap3A_174 = arith.constant 0 : index
    %swap3A_175 = arith.constant 0 : index
    %swap3A_176 = vector.load %arg4[%swap3A_173, %swap3A_174, %swap3A_175] : memref<8x64x1024xf32, #tpu.memory_space<vmem>>, vector<1x64x1024xf32>
    %swap3A_177 = vector.shape_cast %swap3A_176 : vector<1x64x1024xf32> to vector<64x1024xf32>
    %swap3A_178 = vector.shape_cast %add3A_172 : vector<64x1024xf32> to vector<1x64x1024xf32>
    tpu.vector_store %arg4[%swap3A_173, %swap3A_174, %swap3A_175], %swap3A_178 {strides = array<i32>} : memref<8x64x1024xf32, #tpu.memory_space<vmem>>, vector<1x64x1024xf32>,
    return
  }
  func.func @transform_0(%arg0: i32) -> (i32, i32, i32) {
    %c0_i32 = arith.constant 0 : i32
    %c0_i32_0 = arith.constant 0 : i32
    %c0_i32_1 = arith.constant 0 : i32
    return %c0_i32, %arg0, %c0_i32_0 : i32, i32, i32
  }
  func.func @transform_1(%arg0: i32) -> (i32, i32) {
    %c0_i32 = arith.constant 0 : i32
    %c0_i32_0 = arith.constant 0 : i32
    %c0_i32_1 = arith.constant 0 : i32
    return %c0_i32, %c0_i32_0 : i32, i32
  }
  func.func @transform_2(%arg0: i32) -> (i32, i32) {
    %c0_i32 = arith.constant 0 : i32
    %c0_i32_0 = arith.constant 0 : i32
    return %arg0, %c0_i32 : i32, i32
  }
  func.func @transform_3(%arg0: i32) -> (i32, i32, i32) {
    %c0_i32 = arith.constant 0 : i32
    %c0_i32_0 = arith.constant 0 : i32
    %c0_i32_1 = arith.constant 0 : i32
    return %arg0, %c0_i32, %c0_i32_0 : i32, i32, i32
  }
}

module attributes {stable_mosaic.version = 14 : i64} {
  func.func @_fin_body(%arg0: i32, %arg1: memref<8x128x1024xf32, #tpu.memory_space<vmem>>, %arg2: memref<8x64x1024xf32, #tpu.memory_space<vmem>>, %arg3: memref<8x1x1024xf32, #tpu.memory_space<vmem>>, %arg4: memref<1x64x1xf32, #tpu.memory_space<vmem>>, %arg5: memref<1x64x1xf32, #tpu.memory_space<vmem>>, %arg6: memref<8x64x1024xf32, #tpu.memory_space<vmem>>) attributes {dimension_semantics = [#tpu.dimension_semantics<arbitrary>], iteration_bounds = array<i64: 25>, scalar_prefetch = 0 : i64, scratch_operands = 0 : i64, tpu.core_type = #tpu.core_type<tc>, window_params = [{transform_indices = @transform_0, window_bounds = array<i64: 8, 128, 1024>}, {transform_indices = @transform_1, window_bounds = array<i64: 8, 64, 1024>}, {transform_indices = @transform_2, window_bounds = array<i64: 8, 1, 1024>}, {pipeline_mode = #tpu.pipeline_mode<synchronous>, transform_indices = @transform_3, window_bounds = array<i64: 1, 64, 1>}, {pipeline_mode = #tpu.pipeline_mode<synchronous>, transform_indices = @transform_4, window_bounds = array<i64: 1, 64, 1>}, {transform_indices = @transform_5, window_bounds = array<i64: 8, 64, 1024>}]} {
    %get3A = arith.constant 0 : index
    %get3A_0 = arith.constant 0 : index
    %get3A_1 = arith.constant 0 : index
    %get3A_2 = vector.load %arg1[%get3A, %get3A_0, %get3A_1] : memref<8x128x1024xf32, #tpu.memory_space<vmem>>, vector<8x128x1024xf32>
    %get3A_3 = arith.constant 0 : index
    %get3A_4 = arith.constant 0 : index
    %get3A_5 = arith.constant 0 : index
    %get3A_6 = vector.load %arg3[%get3A_3, %get3A_4, %get3A_5] : memref<8x1x1024xf32, #tpu.memory_space<vmem>>, vector<8x1x1024xf32>
    %gt3A = arith.constant 5.000000e-01 : f32
    %gt3A_7 = vector.broadcast %gt3A : f32 to vector<8x1x1024xf32>
    %gt3A_8 = arith.cmpf ogt, %get3A_6, %gt3A_7 : vector<8x1x1024xf32>
    %slice3A = vector.extract_strided_slice %get3A_2 {offsets = [0, 64, 0], sizes = [8, 64, 1024], strides = [1, 1, 1]} : vector<8x128x1024xf32> to vector<8x64x1024xf32>
    %slice3A_9 = vector.extract_strided_slice %get3A_2 {offsets = [0, 0, 0], sizes = [8, 64, 1024], strides = [1, 1, 1]} : vector<8x128x1024xf32> to vector<8x64x1024xf32>
    %broadcast_in_dim3A = vector.shape_cast %gt3A_8 : vector<8x1x1024xi1> to vector<8x1x1024xi1>
    %broadcast_in_dim3A_10 = vector.broadcast %broadcast_in_dim3A : vector<8x1x1024xi1> to vector<8x64x1024xi1>
    %select_n3A = arith.select %broadcast_in_dim3A_10, %slice3A, %slice3A_9 : vector<8x64x1024xi1>, vector<8x64x1024xf32>
    %get3A_11 = arith.constant 0 : index
    %get3A_12 = arith.constant 0 : index
    %get3A_13 = arith.constant 0 : index
    %get3A_14 = vector.load %arg2[%get3A_11, %get3A_12, %get3A_13] : memref<8x64x1024xf32, #tpu.memory_space<vmem>>, vector<8x64x1024xf32>
    %add3A = arith.addf %select_n3A, %get3A_14 : vector<8x64x1024xf32>
    %reduce_sum3A = arith.constant dense<0.000000e+00> : vector<8x1024xf32>
    %reduce_sum3A_15 = vector.multi_reduction <add>, %add3A, %reduce_sum3A [1] : vector<8x64x1024xf32> to vector<8x1024xf32>
    %broadcast_in_dim3A_16 = vector.shape_cast %reduce_sum3A_15 : vector<8x1024xf32> to vector<8x1x1024xf32>
    %div3A = arith.constant 6.400000e+01 : f32
    %div3A_17 = vector.broadcast %div3A : f32 to vector<8x1x1024xf32>
    %div3A_18 = arith.divf %broadcast_in_dim3A_16, %div3A_17 : vector<8x1x1024xf32>
    %sub3A = vector.broadcast %div3A_18 : vector<8x1x1024xf32> to vector<8x64x1024xf32>
    %sub3A_19 = arith.subf %add3A, %sub3A : vector<8x64x1024xf32>
    %mul3A = arith.mulf %sub3A_19, %sub3A_19 : vector<8x64x1024xf32>
    %reduce_sum3A_20 = arith.constant dense<0.000000e+00> : vector<8x1024xf32>
    %reduce_sum3A_21 = vector.multi_reduction <add>, %mul3A, %reduce_sum3A_20 [1] : vector<8x64x1024xf32> to vector<8x1024xf32>
    %broadcast_in_dim3A_22 = vector.shape_cast %reduce_sum3A_21 : vector<8x1024xf32> to vector<8x1x1024xf32>
    %div3A_23 = arith.constant 6.400000e+01 : f32
    %div3A_24 = vector.broadcast %div3A_23 : f32 to vector<8x1x1024xf32>
    %div3A_25 = arith.divf %broadcast_in_dim3A_22, %div3A_24 : vector<8x1x1024xf32>
    %add3A_26 = arith.constant 9.99999997E-7 : f32
    %add3A_27 = vector.broadcast %add3A_26 : f32 to vector<8x1x1024xf32>
    %add3A_28 = arith.addf %div3A_25, %add3A_27 : vector<8x1x1024xf32>
    %rsqrt3A = math.rsqrt %add3A_28 : vector<8x1x1024xf32>
    %mul3A_29 = vector.broadcast %rsqrt3A : vector<8x1x1024xf32> to vector<8x64x1024xf32>
    %mul3A_30 = arith.mulf %sub3A_19, %mul3A_29 : vector<8x64x1024xf32>
    %get3A_31 = arith.constant 0 : index
    %get3A_32 = arith.constant 0 : index
    %get3A_33 = arith.constant 0 : index
    %get3A_34 = vector.load %arg4[%get3A_31, %get3A_32, %get3A_33] : memref<1x64x1xf32, #tpu.memory_space<vmem>>, vector<1x64x1xf32>
    %mul3A_35 = vector.broadcast %get3A_34 : vector<1x64x1xf32> to vector<8x64x1024xf32>
    %mul3A_36 = arith.mulf %mul3A_30, %mul3A_35 : vector<8x64x1024xf32>
    %get3A_37 = arith.constant 0 : index
    %get3A_38 = arith.constant 0 : index
    %get3A_39 = arith.constant 0 : index
    %get3A_40 = vector.load %arg5[%get3A_37, %get3A_38, %get3A_39] : memref<1x64x1xf32, #tpu.memory_space<vmem>>, vector<1x64x1xf32>
    %add3A_41 = vector.broadcast %get3A_40 : vector<1x64x1xf32> to vector<8x64x1024xf32>
    %add3A_42 = arith.addf %mul3A_36, %add3A_41 : vector<8x64x1024xf32>
    %swap3A = arith.constant 0 : index
    %swap3A_43 = arith.constant 0 : index
    %swap3A_44 = arith.constant 0 : index
    %swap3A_45 = vector.load %arg6[%swap3A, %swap3A_43, %swap3A_44] : memref<8x64x1024xf32, #tpu.memory_space<vmem>>, vector<8x64x1024xf32>
    tpu.vector_store %arg6[%swap3A, %swap3A_43, %swap3A_44], %add3A_42 {strides = array<i32>} : memref<8x64x1024xf32, #tpu.memory_space<vmem>>, vector<8x64x1024xf32>,
    return
  }
  func.func @transform_0(%arg0: i32) -> (i32, i32, i32) {
    %c0_i32 = arith.constant 0 : i32
    %c0_i32_0 = arith.constant 0 : i32
    %c0_i32_1 = arith.constant 0 : i32
    return %arg0, %c0_i32, %c0_i32_0 : i32, i32, i32
  }
  func.func @transform_1(%arg0: i32) -> (i32, i32, i32) {
    %c0_i32 = arith.constant 0 : i32
    %c0_i32_0 = arith.constant 0 : i32
    %c0_i32_1 = arith.constant 0 : i32
    return %arg0, %c0_i32, %c0_i32_0 : i32, i32, i32
  }
  func.func @transform_2(%arg0: i32) -> (i32, i32, i32) {
    %c0_i32 = arith.constant 0 : i32
    %c0_i32_0 = arith.constant 0 : i32
    %c0_i32_1 = arith.constant 0 : i32
    return %arg0, %c0_i32, %c0_i32_0 : i32, i32, i32
  }
  func.func @transform_3(%arg0: i32) -> (i32, i32, i32) {
    %c0_i32 = arith.constant 0 : i32
    %c0_i32_0 = arith.constant 0 : i32
    %c0_i32_1 = arith.constant 0 : i32
    %c0_i32_2 = arith.constant 0 : i32
    return %c0_i32, %c0_i32_0, %c0_i32_1 : i32, i32, i32
  }
  func.func @transform_4(%arg0: i32) -> (i32, i32, i32) {
    %c0_i32 = arith.constant 0 : i32
    %c0_i32_0 = arith.constant 0 : i32
    %c0_i32_1 = arith.constant 0 : i32
    %c0_i32_2 = arith.constant 0 : i32
    return %c0_i32, %c0_i32_0, %c0_i32_1 : i32, i32, i32
  }
  func.func @transform_5(%arg0: i32) -> (i32, i32, i32) {
    %c0_i32 = arith.constant 0 : i32
    %c0_i32_0 = arith.constant 0 : i32
    %c0_i32_1 = arith.constant 0 : i32
    return %arg0, %c0_i32, %c0_i32_0 : i32, i32, i32
  }
}

</mosaic_0001>

<sc_bundles>
// kernel: kernel.5.cloned.1.call-start
scs
__scs_entry_jumppad:
0x0: {  	(pc) =	sbr.rel $0x88, $3  }
0x1: {  	(tag) =	ssettag $0x0;
	lr =	simm.s32 $0x1  }
0x2: {  	[smem:$0x3F9A] =	sst lr;
	_ =	strace $0xD0000000  }
0x3: {  	_ = 	snop  }
0x4: {  	_ = 	snop  }
0x5: {  	_ = 	snop  }
0x6: {  	_ = 	snop  }
0x7: {  	_ = 	snop  }
__scs_overlays_trampoline_lowered:
0x8: {  	[smem:$0x3FA9] =	sst s0  }
0x9: {  	[smem:$0x3FAA] =	sst s1  }
0xa: {  	[smem:$0x3FAB] =	sst s2  }
0xb: {  	[smem:$0x3FAC] =	sst s3  }
0xc: {  	[smem:$0x3FAD] =	sst s4  }
0xd: {  	[smem:$0x3FAE] =	sst s5  }
0xe: {  	[smem:$0x3FAF] =	sst s6  }
0xf: {  	[smem:$0x3FB0] =	sst s7  }
0x10: {  	[smem:$0x3FB1] =	sst s8  }
0x11: {  	[smem:$0x3FB2] =	sst s9;
	s0 =	simm.s32 @!p0 $0x0  }
0x12: {  	s1 =	sld [smem:$0x3F98];
	s0 =	simm.s32 @p0 $0x1  }
0x13: {  	[smem:$0x3FB3] =	sst s0;
	s0 =	simm.s32 @!p1 $0x0  }
0x14: {  	s2 =	sld [smem:$0x3F97];
	s0 =	simm.s32 @p1 $0x1  }
0x15: {  	[smem:$0x3FB4] =	sst s0;
	s0 =	simm.s32 @!p2 $0x0  }
0x16: {  	s3 =	sld [smem:$0x3FDB];
	s0 =	simm.s32 @p2 $0x1  }
0x17: {  	s4 =	simm.s32 $0x1BF5;
	[smem:$0x3FB6] =	sst s0  }
0x18: {  	s0 =	sld [smem:$0x3F99];
	_ =	swait.ge [sflag:s4], $0x0  }
0x19: {  	s7 =	sld [smem:$0x3F9A]  }
0x1a: {  	s8 =	sadd.s32 $0xFFFFE003, lr  }
0x1b: {  	s9 =	sadd.s32 $0xFFFFFEF7, lr;
	s5 =	simm.s32 $0xFFFFFFFF;
	p2 =	slt.u32 s8, $0xFFFFF086  }
0x1c: {  	p1 =	slt.u32 s9, $0xF7A;
	s5 =	simm.s32 @!p2 $0x0  }
0x1d: {  	s5 =	simm.s32 @p1 $0x1;
	p0 =	seq.s32 s7, s2  }
0x1e: {  	s7 =	smul.u32 @!p0 $0xF7A, s2;
	p2 =	seq.s32 @!p0 s5, $0x0  }
0x1f: {  	s9 =	smul.u32 $0xF7A, s1;
	s8 =	simm.s32 @!p0 $0x1BF5;
	p2 =	por !p2, p0  }
0x20: {  	[sflag:s8] =	ssyncset.s32 @!p0 $0xFFFFF086;
	s6 =	sadd.s32 @!p0 s3, s7;
	s7 =	simm.s32 @!p0 $0x108  }
0x21: {  	s3 =	sadd.s32 s3, s9;
	s6 =	sadd.s32 @!p0 $0x88, s6;
	s7 =	simm.s32 @p2 $0x1082  }
0x22: {  	[simem:s7], [sflag:s8] =	dma.local @!p0 [hbm:s6], $0xF7A  }
0x23: {  	s9 =	sor.u32 $0xD0000000, s2;
	s6 =	simm.s32 $0x108;
	_ =	swait.ge @!p0 [sflag:s8], $0x0  }
0x24: {  	s3 =	sadd.s32 $0x88, s3;
	s6 =	simm.s32 @!p1 $0x1082;
	[sflag:s4] =	ssyncset.s32 $0xFFFFF086  }
0x25: {  	[simem:s6], [sflag:s4] =	dma.local [hbm:s3], $0xF7A  }
0x26: {  	[smem:$0x3F9A] =	sst s1;
	(tag) =	ssettag s2;
	_ =	strace s9  }
0x27: {  	s1 =	sld [smem:$0x3FAA]  }
0x28: {  	s2 =	sld [smem:$0x3FAB]  }
0x29: {  	s4 =	sld [smem:$0x3FAD]  }
0x2a: {  	p0 =	seq.s32 s5, $0x0;
	s5 =	sld [smem:$0x3FAE]  }
0x2b: {  	s6 =	sld [smem:$0x3FAF]  }
0x2c: {  	s7 =	sld [smem:$0x3FB0]  }
0x2d: {  	s3 =	simm.s32 $0x108;
	s8 =	sld [smem:$0x3FB1]  }
0x2e: {  	s3 =	simm.s32 @!p0 $0x1082;
	s9 =	sld [smem:$0x3FB2]  }
0x2f: {  	lr =	sadd.s32 s0, s3;
	s0 =	sld [smem:$0x3FA9]  }
0x30: {  	s3 =	sld [smem:$0x3FAC]  }
0x31: {  	[smem:$0x3FB5] =	sst s10  }
0x32: {  	s10 =	sld [smem:$0x3FB3];
	_ =	sdelay $0x3  }
0x33: {  	p0 =	seq.s32 s10, $0x1;
	s10 =	sld [smem:$0x3FB5];
	_ =	sdelay $0x3  }
0x34: {  	[smem:$0x3FB5] =	sst s10  }
0x35: {  	s10 =	sld [smem:$0x3FB4];
	_ =	sdelay $0x3  }
0x36: {  	p1 =	seq.s32 s10, $0x1;
	s10 =	sld [smem:$0x3FB5];
	_ =	sdelay $0x3  }
0x37: {  	[smem:$0x3FB5] =	sst s10  }
0x38: {  	s10 =	sld [smem:$0x3FB6]  }
0x39: {  	_ = 	snop;
	(pc) =	sbr.ind lr, $3  }
0x3a: {  	_ = 	snop  }
0x3b: {  	_ = 	snop  }
0x3c: {  	p2 =	seq.s32 s10, $0x1;
	s10 =	sld [smem:$0x3FB5]  }
0x3d: {  	_ =	shalt  }
0x3e: {  	_ =	shalt  }
0x3f: {  	_ =	shalt  }
0x40: {  	_ =	shalt  }
0x41: {  	_ =	shalt  }
0x42: {  	_ =	shalt  }
0x43: {  	_ =	shalt  }
0x44: {  	_ =	shalt  }
0x45: {  	_ =	shalt  }
0x46: {  	_ =	shalt  }
0x47: {  	_ =	shalt  }
0x48: {  	_ =	shalt  }
0x49: {  	_ =	shalt  }
0x4a: {  	_ =	shalt  }
0x4b: {  	_ =	shalt  }
0x4c: {  	_ =	shalt  }
0x4d: {  	_ =	shalt  }
0x4e: {  	_ =	shalt  }
0x4f: {  	_ =	shalt  }
0x50: {  	_ =	shalt  }
0x51: {  	_ =	shalt  }
0x52: {  	_ =	shalt  }
0x53: {  	_ =	shalt  }
0x54: {  	_ =	shalt  }
0x55: {  	_ =	shalt  }
0x56: {  	_ =	shalt  }
0x57: {  	_ =	shalt  }
0x58: {  	_ =	shalt  }
0x59: {  	_ =	shalt  }
0x5a: {  	_ =	shalt  }
0x5b: {  	_ =	shalt  }
0x5c: {  	_ =	shalt  }
0x5d: {  	_ =	shalt  }
0x5e: {  	_ =	shalt  }
0x5f: {  	_ =	shalt  }
0x60: {  	_ =	shalt  }
0x61: {  	_ =	shalt  }
0x62: {  	_ =	shalt  }
0x63: {  	_ =	shalt  }
0x64: {  	_ =	shalt  }
0x65: {  	_ =	shalt  }
0x66: {  	_ =	shalt  }
0x67: {  	_ =	shalt  }
0x68: {  	_ =	shalt  }
0x69: {  	_ =	shalt  }
0x6a: {  	_ =	shalt  }
0x6b: {  	_ =	shalt  }
0x6c: {  	_ =	shalt  }
0x6d: {  	_ =	shalt  }
0x6e: {  	_ =	shalt  }
0x6f: {  	_ =	shalt  }
0x70: {  	_ =	shalt  }
0x71: {  	_ =	shalt  }
0x72: {  	_ =	shalt  }
0x73: {  	_ =	shalt  }
0x74: {  	_ =	shalt  }
0x75: {  	_ =	shalt  }
0x76: {  	_ =	shalt  }
0x77: {  	_ =	shalt  }
0x78: {  	_ =	shalt  }
0x79: {  	_ =	shalt  }
0x7a: {  	_ =	shalt  }
0x7b: {  	_ =	shalt  }
0x7c: {  	_ =	shalt  }
0x7d: {  	_ =	shalt  }
0x7e: {  	_ =	shalt  }
0x7f: {  	_ =	shalt  }
0x80: {  	_ =	shalt  }
0x81: {  	_ =	shalt  }
0x82: {  	_ =	shalt  }
0x83: {  	_ =	shalt  }
0x84: {  	_ =	shalt  }
0x85: {  	_ =	shalt  }
0x86: {  	_ =	shalt  }
0x87: {  	_ =	shalt  }
.Lfunc_end0:
.L_simem_size_0:
called_computation.1_lowered:
.L_overlay_start_0:
0x88: {  	s2 =	sld [smem:$0x3FD9]  }
0x89: {  	s3 =	sld [smem:$0x3FFE];
	_ =	sdelay $0x1  }
0x8a: {  	s1 =	srdreg.scid  }
0x8b: {  	s0 =	sand.u32 $0x1, s1  }
0x8c: {  	s16 =	sshll.u32 s0, $0xA;
	s2 =	sadd.s32 s3, s2  }
0x8d: {  	s2 =	sadd.s32 s2, s16  }
0x8e: {  	[smem:$0x3FC1] =	sst s2  }
0x8f: {  	_ = 	snop  }
0x90: {  	(tm) =	ssettm $0x1  }
0x91: {  	s17 =	sld [smem:$0x3FFB];
	_ =	sdelay $0x3  }
0x92: {  	_ =	strace s17  }
0x93: {  	s2 =	sld [smem:$0x3FFC];
	_ =	sdelay $0x3  }
0x94: {  	_ =	strace s2  }
0x95: {  	s2 =	sld [smem:$0x3FFD];
	_ =	sdelay $0x3  }
0x96: {  	_ =	strace s2  }
0x97: {  	_ =	strace $0x8FFFFFFF  }
0x98: {  	s18 =	sld [smem:$0x3FDB];
	_ =	sdelay $0x1  }
0x99: {  	s19 =	simm.s32 $_scs_section_size  }
0x9a: {  	s4 =	simm.s32 $_size__tile_overlayer_lowered;
	s5 =	simm.s32 $_tile_overlayer_lowered  }
0x9b: {  	s22 =	simm.s32 $0x1BFF;
	s21 =	sshll.u32 s5, $0x1;
	s2 =	sadd.s32 s19, s18  }
0x9c: {  	s6 =	simm.s32 $0x0;
	s20 =	sshll.u32 s4, $0x1;
	s4 =	sadd.s32 s21, s2  }
0x9d: {  	[timem:s6], [sflag:s22] =	dma.local [hbm:s4], s20  }
0x9e: {  	_ =	swait.ge [sflag:s22], s20  }
0x9f: {  	s3 =	ssub.s32 $0x0, s20;
	[sflag:s22] =	ssyncset.done $0x0  }
0xa0: {  	[sflag:s22] =	ssyncadd.s32 s3;
	_ =	sdelay $0x1  }
0xa1: {  	s23 =	simm.s32 $0x1B8B  }
0xa2: {  	_ =	swait.ge [sflag:s23], $0x1  }
0xa3: {  	[sflag:s23] =	ssyncset.done $0x0  }
0xa4: {  	s25 =	simm.s32 $0x1B8E;
	s24 =	sld [smem:$0x3FFE];
	[sflag:s23] =	ssyncadd.s32 $0xFFFFFFFF  }
0xa5: {  	s26 =	simm.s32 $execute0_lowered;
	[smem:$0x3FD2] =	sst s25  }
0xa6: {  	s4 =	sshll.u32 s26, $0x1;
	_ =	strace $0x80000046;
	[dreg:$0x1] =	wrdreg $0xFFFFFFFF  }
0xa7: {  	s28 =	simm.s32 $_size_execute0_lowered;
	s2 =	sadd.s32 s2, s4;
	[dreg:$0x0] =	wrdreg $0x0  }
0xa8: {  	s4 =	sshll.u32 s28, $0x1;
	[dreg:$0x2] =	wrdreg s2  }
0xa9: {  	[dreg:$0x3] =	wrdreg s4  }
0xaa: {  	[dreg:$0x4] =	wrdreg $0xC0  }
0xab: {  	_ =	task [dreg:s6], $0x5FFFF  }
0xac: {  	[dreg:$0x1] =	wrdreg $0xFFFFFFFF  }
0xad: {  	[dreg:$0x0] =	wrdreg $0x60  }
0xae: {  	[dreg:$0x2] =	wrdreg s24  }
0xaf: {  	[dreg:$0x3] =	wrdreg $0x9  }
0xb0: {  	_ =	task.clear_ibuf [dreg:s6], $0x4FFFF;
	_ =	strace $0x90000046  }
0xb1: {  	s29 =	simm.s32 $0x9;
	_ =	strace $0x80000048  }
0xb2: {  	_ =	swait.ge [sflag:s29], $0x1  }
0xb3: {  	[sflag:s29] =	ssyncadd.s32 $0xFFFFFFFF  }
0xb4: {  	_ =	strace $0x90000048  }
0xb5: {  	_ =	sfence  }
0xb6: {  	s30 =	sld [smem:$0x0];
	_ =	sdelay $0x2  }
0xb7: {  	s31 =	sshll.u32 s1, $0xD;
	s1 =	sshrl.u32 s1, $0x2  }
0xb8: {  	s3 =	sand.u32 $0x4000, s31;
	s1 =	sadd.s32 s1, s30  }
0xb9: {  	s0 =	sor.u32 s3, s0;
	s1 =	sshll.u32 s1, $0x11  }
0xba: {  	s0 =	sor.u32 s1, s0  }
0xbb: {  	s0 =	sadd.s32 $0x8F2B, s0  }
0xbc: {  	[sflag:s0] =	ssyncadd.remote.s32 $0x1  }
0xbd: {  	_ =	sfence.sel $0xFFFF  }
0xbe: {  	[dreg:$0x0] =	wrdreg $0xFFFFFFFF;
	(pc) =	sbr.abs _section_cstart, $3  }
0xbf: {  	[dreg:$0x1] =	wrdreg $0xFFFFFFFF  }
0xc0: {  	_ =	task.clear_ibuf [dreg:s6], $0x2FFFF;
	_ =	strace $0x9FFFFFFF  }
0xc1: {  	(tm) =	ssettm $0x7FFFFFFF  }
tec
execute0_lowered:
.L_overlay_start_1:
0x0: {  	(tag) =	ssettag $0x1  }
0x1: {  	s1 =	srdreg.scid  }
0x2: {  	s0 =	stileid.u32;
	s4 =	rddreg [dreg:$0x0]  }
0x3: {  	s2 =	simm.s32 $0x0;
	s10 =	simm.s32 $0x5900;
	s11 =	simm.s32 $0x9900  }
0x4: {  	s12 =	simm.s32 $0xD900;
	s13 =	simm.s32 $0x11900;
	s14 =	simm.s32 $0x1  }
0x5: {  	s15 =	simm.s32 $0x0;
	s5 =	sand.u32 $0x1, s1;
	s1 =	rddreg [dreg:$0x1]  }
0x6: {  	s3 =	sshll.u32 s0, $0x1;
	[smem:$0x7FF] =	sst s2;
	s7 =	smul.u32 $0x32000, s0  }
0x7: {  	s3 =	sor.u32 s5, s3;
	s8 =	ssub.s32 $0x2, s5;
	s5 =	smul.u32 $0x19000, s5  }
0x8: {  	_ =	strace $0x80000047;
	s6 =	smul.u32 $0x1900, s3;
	s9 =	sshrl.u32 s8, $0x1  }
0x9: {  	s3 =	sadd.s32 $0xF43A00, s4;
	s7 =	sadd.s32 s7, s4;
	s31 =	ssub.s32 s8, s9  }
0xa: {  	s7 =	sadd.s32 s5, s7;
	s8 =	simm.s32 $0x80;
	s6 =	sshrl.u32 s6, $0x3  }
0xb: {  	s9 =	simm.s32 $0x1900;
	s5 =	smax.u32 s31, $0x1;
	s4 =	sadd.s32 s6, s4  }
0xc: {  	s6 =	sadd.s32 $0x7A00, s7;
	s7 =	simm.s32 $0x2;
	s4 =	sadd.s32 $0x1600, s4  }
.LBB2_1:
0xd: {  	[tilespmem:s2], [sflag:$0x2] =	stream.linear.gather [hbm4b:s4+s2], $0x1900, $0x38;
	[tilespmem:$0x15900] =	vst v63  }
0xe: {  	_ =	swait.ge [sflag:s7], $0x1900  }
0xf: {  	[sflag:s7] =	ssyncset.done $0x0  }
0x10: {  	s16 =	simm.s32 $0x0;
	[sflag:s7] =	ssyncadd.s32 $0xFFFFE700  }
0x11: {  	[tilespmem:s9], [sflag:$0x1] =	stream.indirect.gather [hbm4b:s3+s8], $0x80, s16, s8, $0xb8;
	[tilespmem:$0x15900] =	vst v63  }
0x12: {  	s28 =	simm.s32 $0x80  }
0x13: {  	[tilespmem:s10], [sflag:$0x1] =	stream.indirect.gather [hbm4b:s3+s8], $0x80, s28, s8, $0xb8;
	[tilespmem:$0x15900] =	vst v63  }
0x14: {  	s29 =	simm.s32 $0x100  }
0x15: {  	[tilespmem:s11], [sflag:$0x1] =	stream.indirect.gather [hbm4b:s3+s8], $0x80, s29, s8, $0xb8;
	[tilespmem:$0x15900] =	vst v63  }
0x16: {  	s30 =	simm.s32 $0x180  }
0x17: {  	[tilespmem:s12], [sflag:$0x1] =	stream.indirect.gather [hbm4b:s3+s8], $0x80, s30, s8, $0xb8;
	[tilespmem:$0x15900] =	vst v63  }
0x18: {  	s31 =	simm.s32 $0x200  }
0x19: {  	[tilespmem:s13], [sflag:$0x1] =	stream.indirect.gather [hbm4b:s3+s8], $0x80, s31, s8, $0xb8;
	[tilespmem:$0x15900] =	vst v63  }
0x1a: {  	_ =	swait.ge [sflag:s14], $0x4000  }
0x1b: {  	[sflag:s14] =	ssyncset.done $0x0  }
0x1c: {  	[sflag:s14] =	ssyncadd.s32 $0xFFFFC000  }
0x1d: {  	_ =	swait.ge [sflag:s14], $0x4000  }
0x1e: {  	[sflag:s14] =	ssyncset.done $0x0  }
0x1f: {  	[sflag:s14] =	ssyncadd.s32 $0xFFFFC000  }
0x20: {  	_ =	swait.ge [sflag:s14], $0x4000  }
0x21: {  	[sflag:s14] =	ssyncset.done $0x0  }
0x22: {  	[sflag:s14] =	ssyncadd.s32 $0xFFFFC000  }
0x23: {  	_ =	swait.ge [sflag:s14], $0x4000  }
0x24: {  	[sflag:s14] =	ssyncset.done $0x0  }
0x25: {  	[sflag:s14] =	ssyncadd.s32 $0xFFFFC000  }
0x26: {  	_ =	swait.ge [sflag:s14], $0x4000  }
0x27: {  	[sflag:s14] =	ssyncset.done $0x0  }
0x28: {  	[sflag:s14] =	ssyncadd.s32 $0xFFFFC000  }
0x29: {  	[hbm4b:s6+s2] =	stream.linear.scatter [tilespmem:s9], [sflag:$0x2], $0x14000, $0x38;
	[tilespmem:$0x15900] =	vst v63  }
0x2a: {  	s17 =	simm.s32 $0xA00;
	_ =	swait.ge [sflag:s7], $0x14000  }
0x2b: {  	s18 =	simm.s32 $0x1400;
	s16 =	sadd.s32 $0x2800, s6;
	[sflag:s7] =	ssyncset.done $0x0  }
.LBB2_2:
0x2c: {  	s19 =	sshra.s32 s17, $0x2  }
0x2d: {  	[sflag:s7] =	ssyncadd.s32 $0xFFFEC000;
	s17 =	smov.u32 s18;
	s20 =	sadd.s32 $0xA00, s18  }
0x2e: {  	[tilespmem:s9], [sflag:$0x1] =	stream.indirect.gather [hbm4b:s3+s8], $0x80, s19, s8, $0xb8;
	[tilespmem:$0x15900] =	vst v63  }
0x2f: {  	p0 =	sne.s32 s18, $0x5A00;
	s18 =	sadd.s32 $0x80, s19  }
0x30: {  	[tilespmem:s10], [sflag:$0x1] =	stream.indirect.gather [hbm4b:s3+s8], $0x80, s18, s8, $0xb8;
	[tilespmem:$0x15900] =	vst v63  }
0x31: {  	s18 =	sadd.s32 $0x100, s19  }
0x32: {  	[tilespmem:s11], [sflag:$0x1] =	stream.indirect.gather [hbm4b:s3+s8], $0x80, s18, s8, $0xb8;
	[tilespmem:$0x15900] =	vst v63  }
0x33: {  	s18 =	sadd.s32 $0x180, s19  }
0x34: {  	[tilespmem:s12], [sflag:$0x1] =	stream.indirect.gather [hbm4b:s3+s8], $0x80, s18, s8, $0xb8;
	[tilespmem:$0x15900] =	vst v63  }
0x35: {  	s18 =	sadd.s32 $0x200, s19  }
0x36: {  	[tilespmem:s13], [sflag:$0x1] =	stream.indirect.gather [hbm4b:s3+s8], $0x80, s18, s8, $0xb8;
	[tilespmem:$0x15900] =	vst v63  }
0x37: {  	_ =	swait.ge [sflag:s14], $0x4000  }
0x38: {  	[sflag:s14] =	ssyncset.done $0x0  }
0x39: {  	[sflag:s14] =	ssyncadd.s32 $0xFFFFC000  }
0x3a: {  	_ =	swait.ge [sflag:s14], $0x4000  }
0x3b: {  	[sflag:s14] =	ssyncset.done $0x0  }
0x3c: {  	[sflag:s14] =	ssyncadd.s32 $0xFFFFC000  }
0x3d: {  	_ =	swait.ge [sflag:s14], $0x4000  }
0x3e: {  	[sflag:s14] =	ssyncset.done $0x0  }
0x3f: {  	[sflag:s14] =	ssyncadd.s32 $0xFFFFC000  }
0x40: {  	_ =	swait.ge [sflag:s14], $0x4000  }
0x41: {  	[sflag:s14] =	ssyncset.done $0x0  }
0x42: {  	[sflag:s14] =	ssyncadd.s32 $0xFFFFC000  }
0x43: {  	_ =	swait.ge [sflag:s14], $0x4000  }
.Ltmp0:
0x44: {  	[sflag:s14] =	ssyncset.done $0x0;
	(pc) =	sbr.rel @p0 .LBB2_2-.Ltmp0, $4  }
0x45: {  	[sflag:s14] =	ssyncadd.s32 $0xFFFFC000  }
0x46: {  	[hbm4b:s16+s2] =	stream.linear.scatter [tilespmem:s9], [sflag:$0x2], $0x14000, $0x38;
	[tilespmem:$0x15900] =	vst v63  }
0x47: {  	_ =	swait.ge [sflag:s7], $0x14000  }
0x48: {  	s18 =	smov.u32 s20;
	s16 =	sadd.s32 $0x2800, s16;
	[sflag:s7] =	ssyncset.done $0x0  }
0x49: {  	s17 =	sshra.s32 s17, $0x2;
	[sflag:s7] =	ssyncadd.s32 $0xFFFEC000  }
0x4a: {  	[tilespmem:s9], [sflag:$0x1] =	stream.indirect.gather [hbm4b:s3+s8], $0x80, s17, s8, $0xb8;
	[tilespmem:$0x15900] =	vst v63  }
0x4b: {  	s18 =	sadd.s32 $0x80, s17  }
0x4c: {  	[tilespmem:s10], [sflag:$0x1] =	stream.indirect.gather [hbm4b:s3+s8], $0x80, s18, s8, $0xb8;
	[tilespmem:$0x15900] =	vst v63  }
0x4d: {  	s30 =	sadd.s32 $0x100, s17  }
0x4e: {  	[tilespmem:s11], [sflag:$0x1] =	stream.indirect.gather [hbm4b:s3+s8], $0x80, s30, s8, $0xb8;
	[tilespmem:$0x15900] =	vst v63  }
0x4f: {  	s31 =	sadd.s32 $0x180, s17  }
0x50: {  	[tilespmem:s12], [sflag:$0x1] =	stream.indirect.gather [hbm4b:s3+s8], $0x80, s31, s8, $0xb8;
	[tilespmem:$0x15900] =	vst v63  }
0x51: {  	s17 =	sadd.s32 $0x200, s17  }
0x52: {  	[tilespmem:s13], [sflag:$0x1] =	stream.indirect.gather [hbm4b:s3+s8], $0x80, s17, s8, $0xb8;
	[tilespmem:$0x15900] =	vst v63  }
0x53: {  	_ =	swait.ge [sflag:s14], $0x4000  }
0x54: {  	[sflag:s14] =	ssyncset.done $0x0  }
0x55: {  	[sflag:s14] =	ssyncadd.s32 $0xFFFFC000  }
0x56: {  	_ =	swait.ge [sflag:s14], $0x4000  }
0x57: {  	[sflag:s14] =	ssyncset.done $0x0  }
0x58: {  	[sflag:s14] =	ssyncadd.s32 $0xFFFFC000  }
0x59: {  	_ =	swait.ge [sflag:s14], $0x4000  }
0x5a: {  	[sflag:s14] =	ssyncset.done $0x0  }
0x5b: {  	[sflag:s14] =	ssyncadd.s32 $0xFFFFC000  }
0x5c: {  	_ =	swait.ge [sflag:s14], $0x4000  }
0x5d: {  	[sflag:s14] =	ssyncset.done $0x0  }
0x5e: {  	[sflag:s14] =	ssyncadd.s32 $0xFFFFC000  }
0x5f: {  	s15 =	sadd.s32 $0x1, s15;
	_ =	swait.ge [sflag:s14], $0x4000  }
0x60: {  	p0 =	sne.s32 s15, s5;
	[sflag:s14] =	ssyncset.done $0x0  }
.Ltmp1:
0x61: {  	[sflag:s14] =	ssyncadd.s32 $0xFFFFC000;
	(pc) =	sbr.rel @p0 .LBB2_1-.Ltmp1, $4  }
0x62: {  	[hbm4b:s16+s2] =	stream.linear.scatter [tilespmem:s9], [sflag:$0x2], $0x14000, $0x38;
	[tilespmem:$0x15900] =	vst v63  }
0x63: {  	_ =	swait.ge [sflag:s7], $0x14000  }
0x64: {  	[sflag:s7] =	ssyncset.done $0x0  }
0x65: {  	[sflag:s7] =	ssyncadd.s32 $0xFFFEC000  }
0x66: {  	_ =	sfence.sel $0x180000  }
0x67: {  	[bflag:$0x0] =	sbarrier.arrive $0xFFFF  }
0x68: {  	p0 =	sne.s32 s0, $0x0;
	_ =	strace $0x90000047  }
0x69: {  	s0 =	sadd.s32 @!p0 $0x100000, s1;
	[bflag:$0x2] =	sbarrier.arrive $0xFFFF  }
0x6a: {  	[sflag:s0] =	ssyncadd.tile.s32 @!p0 $0x1;
	_ =	shalt  }
.Lfunc_end2:
_tile_overlayer_lowered:
.L_overlay_start_2:
0x6b: {  	(tag) =	ssettag $0x2  }
0x6c: {  	s0 =	rddreg [dreg:$0x0];
	s2 =	stileid.u32  }
0x6d: {  	s1 =	rddreg [dreg:$0x1];
	p0 =	sne.s32 s2, $0x0  }
0x6e: {  	s3 =	rddreg [dreg:$0x2];
	[bflag:$0x3] =	sbarrier.arrive $0xFFFF;
	s2 =	simm.s32 @!p0 $0x1C02  }
0x6f: {  	[timem:s3], [sflag:s2] =	dma.local @!p0 [hbm:s0], s1  }
0x70: {  	s0 =	simm.s32 @!p0 $0x2  }
0x71: {  	_ =	swait.ge @!p0 [sflag:s0], s1  }
0x72: {  	s1 =	ssub.s32 @!p0 $0x0, s1;
	[sflag:s0] =	ssyncset.done @!p0 $0x0  }
0x73: {  	[sflag:s0] =	ssyncadd.s32 @!p0 s1  }
0x74: {  	[bflag:$0x3] =	sbarrier.arrive $0xFFFF  }
0x75: {  	_ =	shalt  }

// kernel: sparse-core-data-format-call.cloned.1.call-start
scs
called_computation_lowered:
.L_overlay_start_0:
0x0: {  	s1 =	sld [smem:$0x3FD9]  }
0x1: {  	s2 =	sld [smem:$0x3FFE];
	_ =	sdelay $0x1  }
0x2: {  	s3 =	srdreg.scid  }
0x3: {  	s0 =	sand.u32 $0x1, s3  }
0x4: {  	s17 =	sshll.u32 s0, $0xA;
	s1 =	sadd.s32 s2, s1  }
0x5: {  	s1 =	sadd.s32 s1, s17  }
0x6: {  	[smem:$0x3FC1] =	sst s1  }
0x7: {  	_ = 	snop  }
0x8: {  	(tm) =	ssettm $0x1  }
0x9: {  	s18 =	sld [smem:$0x3FFB];
	_ =	sdelay $0x3  }
0xa: {  	_ =	strace s18  }
0xb: {  	s1 =	sld [smem:$0x3FFC];
	_ =	sdelay $0x3  }
0xc: {  	_ =	strace s1  }
0xd: {  	s1 =	sld [smem:$0x3FFD];
	_ =	sdelay $0x3  }
0xe: {  	_ =	strace s1  }
0xf: {  	_ =	strace $0x8FFFFFFF  }
0x10: {  	s19 =	sld [smem:$0x3FDB];
	_ =	sdelay $0x1  }
0x11: {  	s20 =	simm.s32 $_scs_section_size  }
0x12: {  	s4 =	simm.s32 $_size__tile_overlayer_lowered;
	s5 =	simm.s32 $_tile_overlayer_lowered  }
0x13: {  	s23 =	simm.s32 $0x1BFF;
	s22 =	sshll.u32 s5, $0x1;
	s1 =	sadd.s32 s20, s19  }
0x14: {  	s6 =	simm.s32 $0x0;
	s21 =	sshll.u32 s4, $0x1;
	s4 =	sadd.s32 s22, s1  }
0x15: {  	[timem:s6], [sflag:s23] =	dma.local [hbm:s4], s21  }
0x16: {  	_ =	swait.ge [sflag:s23], s21  }
0x17: {  	s2 =	ssub.s32 $0x0, s21;
	[sflag:s23] =	ssyncset.done $0x0  }
0x18: {  	[sflag:s23] =	ssyncadd.s32 s2;
	_ =	sdelay $0x1  }
0x19: {  	s24 =	simm.s32 $0x1B8B  }
0x1a: {  	_ =	swait.ge [sflag:s24], $0x1  }
0x1b: {  	[sflag:s24] =	ssyncset.done $0x0  }
0x1c: {  	s26 =	simm.s32 $0x1B8E;
	s25 =	sld [smem:$0x3FFE];
	[sflag:s24] =	ssyncadd.s32 $0xFFFFFFFF  }
0x1d: {  	s27 =	simm.s32 $execute0_lowered;
	[smem:$0x3FD2] =	sst s26  }
0x1e: {  	s4 =	sshll.u32 s27, $0x1;
	_ =	strace $0x80000049;
	[dreg:$0x1] =	wrdreg $0xFFFFFFFF  }
0x1f: {  	s28 =	simm.s32 $_size_execute0_lowered;
	s1 =	sadd.s32 s1, s4;
	[dreg:$0x0] =	wrdreg $0x0  }
0x20: {  	s4 =	sshll.u32 s28, $0x1;
	[dreg:$0x2] =	wrdreg s1  }
0x21: {  	[dreg:$0x3] =	wrdreg s4  }
0x22: {  	[dreg:$0x4] =	wrdreg $0xC0  }
0x23: {  	_ =	task [dreg:s6], $0x5FFFF  }
0x24: {  	[dreg:$0x1] =	wrdreg $0xFFFFFFFF  }
0x25: {  	[dreg:$0x0] =	wrdreg $0x60  }
0x26: {  	[dreg:$0x2] =	wrdreg s25  }
0x27: {  	[dreg:$0x3] =	wrdreg $0x9  }
0x28: {  	_ =	task.clear_ibuf [dreg:s6], $0x4FFFF;
	_ =	strace $0x90000049  }
0x29: {  	s29 =	simm.s32 $0x9;
	_ =	strace $0x8000004B  }
0x2a: {  	_ =	swait.ge [sflag:s29], $0x1  }
0x2b: {  	[sflag:s29] =	ssyncadd.s32 $0xFFFFFFFF  }
0x2c: {  	_ =	strace $0x9000004B  }
0x2d: {  	_ =	sfence  }
0x2e: {  	s30 =	sld [smem:$0x0];
	_ =	sdelay $0x2  }
0x2f: {  	s31 =	sshll.u32 s3, $0xD;
	s3 =	sshrl.u32 s3, $0x2  }
0x30: {  	s2 =	sand.u32 $0x4000, s31;
	s1 =	sadd.s32 s3, s30  }
0x31: {  	s0 =	sor.u32 s2, s0;
	s1 =	sshll.u32 s1, $0x11  }
0x32: {  	s0 =	sor.u32 s1, s0  }
0x33: {  	s0 =	sadd.s32 $0x8F2B, s0  }
0x34: {  	[sflag:s0] =	ssyncadd.remote.s32 $0x1  }
0x35: {  	_ =	sfence.sel $0xFFFF  }
0x36: {  	[dreg:$0x0] =	wrdreg $0xFFFFFFFF;
	(pc) =	sbr.abs _section_cstart, $3  }
0x37: {  	[dreg:$0x1] =	wrdreg $0xFFFFFFFF  }
0x38: {  	_ =	task.clear_ibuf [dreg:s6], $0x2FFFF;
	_ =	strace $0x9FFFFFFF  }
0x39: {  	(tm) =	ssettm $0x7FFFFFFF  }
tec
execute0_lowered:
.L_overlay_start_1:
0x0: {  	(tag) =	ssettag $0x1  }
0x1: {  	s6 =	rddreg [dreg:$0x0]  }
0x2: {  	s0 =	stileid.u32;
	s1 =	rddreg [dreg:$0x1];
	_ =	strace $0x8000004A  }
0x3: {  	s5 =	srdreg.scid;
	s31 =	simm.s32 $0x2;
	s2 =	sshll.u32 s0, $0x7  }
0x4: {  	s13 =	simm.s32 $0x0;
	s14 =	simm.s32 $0x0;
	s2 =	sand.u32 $0x380, s2  }
0x5: {  	s12 =	simm.s32 $0x0;
	s3 =	sadd.s32 $0x7A00, s6;
	s4 =	ssub.s32 $0x400, s2  }
0x6: {  	s5 =	sshll.u32 s5, $0x4;
	s6 =	sadd.s32 $0x327A00, s6;
	s7 =	sand.u32 $0x380, s4  }
0x7: {  	s5 =	sand.u32 $0x10, s5;
	p0 =	sne.s32 s7, $0x0;
	s7 =	simm.s32 $0x1  }
.Ltmp0:
0x8: {  	s8 =	sshrl.u32 s4, $0xA;
	s7 =	simm.s32 @!p0 $0x0;
	(pc) =	sbr.rel .LBB1_1-.Ltmp0, $4  }
0x9: {  	s9 =	sor.u32 s0, s5;
	s4 =	simm.s32 $0x1;
	s30 =	sadd.s32 s7, s8  }
0xa: {  	s11 =	smov.u32 s2;
	[sflag:s4] =	ssyncpa.u1 $0x0;
	s5 =	smul.u32 $0x32, s30  }
0xb: {  	[sflag:s31] =	ssyncpa.u1 $0x0;
	p0 =	por $0x0, $0x0;
	s7 =	sshrl.u32 s9, $0x3  }
0xc: {  	s9 =	simm.s32 $0x2000;
	s10 =	smov.u32 s7;
	s8 =	sor.u32 $0x1, s5  }
.LBB1_4:
0xd: {  	v5 =	vld [tilespmem:s18+$0xFFFFFFD0];
	[tilespmem:s17+$0x2040 ss:$0x81] =	vst.msk $0xffff, v1  }
0xe: {  	v58 =	vld [tilespmem:s18+$0xFFFFFFE0];
	[tilespmem:s17+$0x2850 ss:$0x81] =	vst.msk $0xffff, v2  }
0xf: {  	s19 =	sshra.s32 s19, $0x2;
	v59 =	vld [tilespmem:s18+$0xFFFFFFF0];
	[tilespmem:s17+$0x3060 ss:$0x81] =	vst.msk $0xffff, v3  }
0x10: {  	v60 =	vld [tilespmem:s18+$0x0];
	[tilespmem:s17+$0x0 ss:$0x81] =	vst.msk $0xffff, v0;
	s16 =	sadd.s32 s19, s16  }
0x11: {  	v61 =	vld [tilespmem:s18+$0x10];
	[tilespmem:s16+$0x3870 ss:$0x81] =	vst.msk $0xffff, v4  }
0x12: {  	v62 =	vld [tilespmem:s18+$0x20];
	[tilespmem:s16+$0x810 ss:$0x81] =	vst.msk $0xffff, v5  }
0x13: {  	v63 =	vld [tilespmem:s18+$0xFFFFFFC0];
	[tilespmem:s16+$0x1020 ss:$0x81] =	vst.msk $0xffff, v58  }
0x14: {  	[tilespmem:s16+$0x1830 ss:$0x81] =	vst.msk $0xffff, v59  }
0x15: {  	s29 =	sand.u32 $0x3F80, s14;
	s13 =	sshll.u32 s13, $0xE;
	[tilespmem:s16+$0x2040 ss:$0x81] =	vst.msk $0xffff, v60  }
0x16: {  	s30 =	sshrl.u32 s14, $0x3;
	s31 =	sand.u32 $0x7, s14;
	s17 =	sadd.s32 s6, s29;
	[tilespmem:s16+$0x2850 ss:$0x81] =	vst.msk $0xffff, v61  }
0x17: {  	s18 =	sand.u32 $0xF, s30;
	s14 =	sshll.u32 s31, $0x12;
	s13 =	sadd.s32 s13, s17;
	[tilespmem:s16+$0x3060 ss:$0x81] =	vst.msk $0xffff, v62  }
0x18: {  	s14 =	sor.u32 $0x400, s14;
	s13 =	sadd.s32 s18, s13;
	[tilespmem:s16+$0x0 ss:$0x81] =	vst.msk $0xffff, v63  }
0x19: {  	[hbm4b:s13+s14] =	stream.strided.scatter [tilespmem:s15], [sflag:$0x2], $0x4000, s9, s14, $0x20;
	[tilespmem:$0x10100] =	vst v63  }
.LBB1_5:
0x1a: {  	s15 =	sadd.s32 $0x4, s10  }
0x1b: {  	s13 =	sadd.s32 $0x400, s11;
	s17 =	smov.u32 s11;
	p2 =	sgt.s32 s15, $0xC7  }
0x1c: {  	s17 =	smov.u32 @p2 s13  }
0x1d: {  	s15 =	smov.u32 @p2 s7;
	p2 =	sgt.s32 s17, $0x3FF  }
0x1e: {  	s17 =	smov.u32 @p2 s2;
	p2 =	sne.s32 s12, s8  }
.Ltmp1:
0x1f: {  	p1 =	slt.u32 s12, $0x2;
	(pc) =	sbr.rel @!p2 .LBB1_6-.Ltmp1, $4  }
0x20: {  	s16 =	simm.s32 @!p1 $0x2  }
0x21: {  	s14 =	smov.u32 s11;
	p0 =	por !p0, !p0;
	_ =	swait.ge @!p1 [sflag:s16], $0x4000  }
0x22: {  	s13 =	smov.u32 s10;
	[sflag:s16] =	ssyncset.done @!p1 $0x0;
	s10 =	smov.u32 s15  }
0x23: {  	s12 =	sadd.s32 $0x1, s12;
	[sflag:s16] =	ssyncadd.s32 @!p1 $0xFFFFC000;
	s11 =	smov.u32 s17  }
.LBB1_1:
0x24: {  	p1 =	sge.u32 s12, s5  }
0x25: {  	s15 =	sand.u32 @!p1 $0x1FFFFFF, s10  }
0x26: {  	s16 =	smulhi.u32 @!p1 $0x147AE15, s15;
	_ =	sdelay $0x1  }
0x27: {  	s16 =	smul.u32 @!p1 $0xC8, s16  }
0x28: {  	s17 =	sxor.u32 @!p1 $0xFFFFFFFF, s12;
	s18 =	smul.u32 @!p1 $0xC80, s11  }
0x29: {  	s31 =	sadd.s32 $0xFFFFFFFF, s12;
	s17 =	sshll.u32 @!p1 s17, $0xE;
	s15 =	ssub.s32 @!p1 s15, s16  }
0x2a: {  	s16 =	sand.u32 @!p1 $0x4000, s17;
	s17 =	sadd.s32 @!p1 s3, s18;
	s15 =	sshll.u32 @!p1 s15, $0x4  }
0x2b: {  	s18 =	simm.s32 @!p1 $0x6400;
	s15 =	sadd.s32 @!p1 s15, s17;
	s17 =	simm.s32 @!p1 $0x80  }
0x2c: {  	[tilespmem:s16], [sflag:$0x1] =	stream.strided.gather @!p1 [hbm4b:s15+s17], $0x4000, s18, s17, $0x38;
	[tilespmem:$0x10100] =	vst v63  }
0x2d: {  	p1 =	sge.u32 s31, s5  }
.Ltmp2:
0x2e: {  	_ = 	snop;
	(pc) =	sbr.rel @p1 .LBB1_5-.Ltmp2, $1  }
0x2f: {  	_ =	sdelay $0x3  }
0x30: {  	s15 =	simm.s32 $0x1  }
0x31: {  	_ =	swait.ge [sflag:s4], $0x4000;
	s15 =	simm.s32 @!p0 $0x0  }
0x32: {  	[sflag:s4] =	ssyncset.done $0x0;
	s16 =	sshll.u32 s15, $0xE  }
0x33: {  	[sflag:s4] =	ssyncadd.s32 $0xFFFFC000;
	s18 =	sor.u32 $0x40, s16  }
0x34: {  	s15 =	smul.u32 $0x10200, s15;
	v0 =	vld [tilespmem:s18+$0x30]  }
0x35: {  	v3 =	vld [tilespmem:s18+$0xFFFFFFD0]  }
0x36: {  	s15 =	sshrl.u32 s15, $0x2;
	v4 =	vld [tilespmem:s18+$0xFFFFFFE0]  }
0x37: {  	v5 =	vld [tilespmem:s18+$0xFFFFFFF0];
	s16 =	sor.u32 $0x8000, s15  }
0x38: {  	s31 =	sand.u32 $0x1, s12;
	v1 =	vld [tilespmem:s18+$0x0];
	s17 =	sadd.s32 $0x0, s16  }
0x39: {  	v2 =	vld [tilespmem:s18+$0x10];
	s15 =	smul.u32 $0x10200, s31;
	[tilespmem:s17+$0x3870 ss:$0x81] =	vst.msk $0xffff, v0  }
0x3a: {  	[tilespmem:s17+$0x810 ss:$0x81] =	vst.msk $0xffff, v3;
	v3 =	vld [tilespmem:s18+$0x20]  }
0x3b: {  	s15 =	sshrl.u32 s15, $0x2;
	v0 =	vld [tilespmem:s18+$0xFFFFFFC0];
	[tilespmem:s17+$0x1020 ss:$0x81] =	vst.msk $0xffff, v4;
	s18 =	sadd.s32 $0x80, s18  }
0x3c: {  	s19 =	simm.s32 $0x4;
	s20 =	simm.s32 $0x8;
	s15 =	sor.u32 $0x8000, s15;
	[tilespmem:s17+$0x1830 ss:$0x81] =	vst.msk $0xffff, v5;
	v4 =	vld [tilespmem:s18+$0x30]  }
.LBB1_3:
0x3d: {  	p1 =	sne.s32 s20, $0x1FC;
	v5 =	vld [tilespmem:s18+$0xFFFFFFD0];
	[tilespmem:s17+$0x2040 ss:$0x81] =	vst.msk $0xffff, v1  }
0x3e: {  	v6 =	vld [tilespmem:s18+$0xFFFFFFE0];
	[tilespmem:s17+$0x2850 ss:$0x81] =	vst.msk $0xffff, v2  }
0x3f: {  	s21 =	sshra.s32 s19, $0x2;
	s19 =	smov.u32 s20;
	v7 =	vld [tilespmem:s18+$0xFFFFFFF0];
	[tilespmem:s17+$0x3060 ss:$0x81] =	vst.msk $0xffff, v3  }
.Ltmp3:
0x40: {  	v1 =	vld [tilespmem:s18+$0x0];
	[tilespmem:s17+$0x0 ss:$0x81] =	vst.msk $0xffff, v0;
	s17 =	sadd.s32 s21, s16;
	(pc) =	sbr.rel @p1 .LBB1_3-.Ltmp3, $4  }
0x41: {  	v2 =	vld [tilespmem:s18+$0x10];
	[tilespmem:s17+$0x3870 ss:$0x81] =	vst.msk $0xffff, v4  }
0x42: {  	[tilespmem:s17+$0x810 ss:$0x81] =	vst.msk $0xffff, v5;
	v3 =	vld [tilespmem:s18+$0x20]  }
0x43: {  	v0 =	vld [tilespmem:s18+$0xFFFFFFC0];
	[tilespmem:s17+$0x1020 ss:$0x81] =	vst.msk $0xffff, v6;
	s18 =	sadd.s32 $0x80, s18  }
0x44: {  	s20 =	sadd.s32 $0x4, s20;
	v4 =	vld [tilespmem:s18+$0x30];
	[tilespmem:s17+$0x1830 ss:$0x81] =	vst.msk $0xffff, v7  }
.Ltmp4:
0x45: {  	_ = 	snop;
	(pc) =	sbr.rel .LBB1_4-.Ltmp4, $1  }
0x46: {  	_ =	sdelay $0x3  }
.LBB1_6:
0x47: {  	_ =	sfence.sel $0x180000  }
0x48: {  	s2 =	simm.s32 $0x1;
	[bflag:$0x0] =	sbarrier.arrive $0xFFFF  }
0x49: {  	s31 =	simm.s32 $0x2;
	[sflag:s2] =	ssyncpa.u1 $0x1  }
0x4a: {  	[sflag:s31] =	ssyncpa.u1 $0x1  }
0x4b: {  	p0 =	sne.s32 s0, $0x0;
	_ =	strace $0x9000004A  }
0x4c: {  	s0 =	sadd.s32 @!p0 $0x100000, s1;
	[bflag:$0x2] =	sbarrier.arrive $0xFFFF  }
0x4d: {  	[sflag:s0] =	ssyncadd.tile.s32 @!p0 $0x1;
	_ =	shalt  }
.Lfunc_end1:
_tile_overlayer_lowered:
.L_overlay_start_2:
0x4e: {  	(tag) =	ssettag $0x2  }
0x4f: {  	s0 =	rddreg [dreg:$0x0];
	s2 =	stileid.u32  }
0x50: {  	s1 =	rddreg [dreg:$0x1];
	p0 =	sne.s32 s2, $0x0  }
0x51: {  	s3 =	rddreg [dreg:$0x2];
	[bflag:$0x3] =	sbarrier.arrive $0xFFFF;
	s2 =	simm.s32 @!p0 $0x1C01  }
0x52: {  	[timem:s3], [sflag:s2] =	dma.local @!p0 [hbm:s0], s1  }
0x53: {  	s0 =	simm.s32 @!p0 $0x1  }
0x54: {  	_ =	swait.ge @!p0 [sflag:s0], s1  }
0x55: {  	s1 =	ssub.s32 @!p0 $0x0, s1;
	[sflag:s0] =	ssyncset.done @!p0 $0x0  }
0x56: {  	[sflag:s0] =	ssyncadd.s32 @!p0 s1  }
0x57: {  	[bflag:$0x3] =	sbarrier.arrive $0xFFFF  }
0x58: {  	_ =	shalt  }

</sc_bundles>
